<compile_context>
chip_gen: v7x
topology: tpu7x:2x2x1
jax: 0.10.2.dev20260603
libtpu: 0.0.44.dev20260713+nightly
codegen_flags: <defaults>
</compile_context>

<pallas_src>
import functools

import jax
import jax.numpy as jnp
from jax import lax
from jax.experimental import pallas as pl
from jax.experimental.pallas import tpu as pltpu
from jax.experimental.pallas import tpu_sc as plsc

V = 10000
F = 160000
E = 320000
C = 8
FSS = C * C

NC = 2
NS = 16
NW = NC * NS

FH = F // NC
DUMP = FH


def _vector_mesh():
    return plsc.VectorSubcoreMesh(core_axis_name="c", subcore_axis_name="s")


_SC_PARAMS = pltpu.CompilerParams(use_tc_tiling_on_sc=False)


def _sc_gather(table, idx, chunk):
    n, d = table.shape
    e = idx.shape[0]
    per_w = e // NW
    n_chunks = per_w // chunk

    @functools.partial(
        pl.kernel,
        out_type=jax.ShapeDtypeStruct((e, d), jnp.float32),
        mesh=_vector_mesh(),
        compiler_params=_SC_PARAMS,
        scratch_types=[
            pltpu.VMEM((chunk,), jnp.int32),
            pltpu.VMEM((chunk, d), jnp.float32),
        ],
    )
    def k(table_hbm, idx_hbm, out_hbm, idx_v, rows_v):
        wid = lax.axis_index("s") * NC + lax.axis_index("c")
        base = wid * per_w

        @pl.loop(0, n_chunks)
        def _(i):
            off = base + i * chunk
            pltpu.sync_copy(idx_hbm.at[pl.ds(off, chunk)], idx_v)
            pltpu.sync_copy(table_hbm.at[idx_v], rows_v)
            pltpu.sync_copy(rows_v, out_hbm.at[pl.ds(off, chunk)])

    return k(table, idx)


def _sc_var_scatter(vals16, idx, zeros_hbm_src):
    chunk = 1000
    per_sc = E // NC
    per_w = per_sc // NS
    n_chunks = per_w // chunk

    @functools.partial(
        pl.kernel,
        out_type=jax.ShapeDtypeStruct((NC, V, 16), jnp.float32),
        mesh=_vector_mesh(),
        compiler_params=_SC_PARAMS,
        scratch_types=[
            pltpu.VMEM((chunk,), jnp.int32),
            pltpu.VMEM((chunk, 16), jnp.float32),
            pltpu.VMEM_SHARED((V, 16), jnp.float32),
        ],
    )
    def k(vals_hbm, idx_hbm, zeros_hbm, out_hbm, idx_v, vals_v, acc_sh):
        cid = lax.axis_index("c")
        sid = lax.axis_index("s")

        @pl.when(sid == 0)
        def _():
            pltpu.sync_copy(zeros_hbm.at[pl.ds(0, V)], acc_sh)

        plsc.subcore_barrier()
        base = cid * per_sc + sid * per_w

        @pl.loop(0, n_chunks)
        def _(i):
            off = base + i * chunk
            pltpu.sync_copy(idx_hbm.at[pl.ds(off, chunk)], idx_v)
            pltpu.sync_copy(vals_hbm.at[pl.ds(off, chunk)], vals_v)
            pltpu.sync_copy(vals_v, acc_sh.at[idx_v], add=True)

        plsc.subcore_barrier()

        @pl.when(sid < 8)
        def _():
            rows = V // 8
            pltpu.sync_copy(acc_sh.at[pl.ds(sid * rows, rows)],
                            out_hbm.at[cid].at[pl.ds(sid * rows, rows)])

    return k(vals16, idx, zeros_hbm_src)


def _sc_factor_scatter(avals, idx, zeros_hbm_src):
    chunk = 800
    per_w = E // NS
    n_chunks = per_w // chunk

    @functools.partial(
        pl.kernel,
        out_type=jax.ShapeDtypeStruct((F, 16), jnp.float32),
        mesh=_vector_mesh(),
        compiler_params=_SC_PARAMS,
        scratch_types=[
            pltpu.VMEM((chunk,), jnp.int32),
            pltpu.VMEM((chunk, 16), jnp.float32),
            pltpu.VMEM_SHARED((FH + 8, 16), jnp.float32),
        ],
    )
    def k(vals_hbm, idx_hbm, zeros_hbm, out_hbm, idx_v, vals_v, acc_sh):
        cid = lax.axis_index("c")
        sid = lax.axis_index("s")

        @pl.when(sid == 0)
        def _():
            pltpu.sync_copy(zeros_hbm, acc_sh)

        plsc.subcore_barrier()
        base = sid * per_w
        lo = cid * FH

        @pl.loop(0, n_chunks)
        def _(i):
            off = base + i * chunk
            pltpu.sync_copy(idx_hbm.at[pl.ds(off, chunk)], idx_v)
            pltpu.sync_copy(vals_hbm.at[pl.ds(off, chunk)], vals_v)

            @pl.loop(0, chunk // 16)
            def _(j):
                sl = pl.ds(j * 16, 16)
                x = idx_v[sl] - lo
                ok = (x >= 0) & (x < FH)
                idx_v[sl] = jnp.where(ok, x, DUMP)

            pltpu.sync_copy(vals_v, acc_sh.at[idx_v], add=True)

        plsc.subcore_barrier()
        rows = FH // NS
        pltpu.sync_copy(acc_sh.at[pl.ds(sid * rows, rows)],
                        out_hbm.at[pl.ds(cid * FH + sid * rows, rows)])

    return k(avals, idx, zeros_hbm_src)


_BLK3 = 1280
_BLKA = 6400
_BLK4 = 1280


def _tc_mlp3(fb_edges, edim2, w1, b1, w2, b2):

    def body(fb_ref, d_ref, w1_ref, b1_ref, w2_ref, b2_ref, o_ref):
        x = jnp.exp(fb_ref[...][:, 0:FSS])
        h = jnp.maximum(
            jnp.dot(x, w1_ref[...], preferred_element_type=jnp.float32)
            + b1_ref[...], 0.0)
        z = jnp.maximum(
            jnp.dot(h, w2_ref[...], preferred_element_type=jnp.float32)
            + b2_ref[...], 0.0) + 1e-19
        cc = lax.broadcasted_iota(jnp.int32, (FSS, C), 0)
        ii = lax.broadcasted_iota(jnp.int32, (FSS, C), 1)
        g0 = (cc // C == ii).astype(jnp.float32)
        g1 = (cc % C == ii).astype(jnp.float32)
        s0 = jnp.dot(z, g0, preferred_element_type=jnp.float32)
        s1 = jnp.dot(z, g1, preferred_element_type=jnp.float32)
        d = (d_ref[...] == 0)
        ftov = jnp.log(jnp.where(d, s0, s1))
        o_ref[...] = jnp.concatenate(
            [ftov, jnp.broadcast_to(d, ftov.shape).astype(jnp.float32)], axis=1)

    return pl.pallas_call(
        body,
        grid=(E // _BLK3,),
        in_specs=[
            pl.BlockSpec((_BLK3, 128), lambda i: (i, 0)),
            pl.BlockSpec((_BLK3, 1), lambda i: (i, 0)),
            pl.BlockSpec((FSS, 2 * FSS), lambda i: (0, 0)),
            pl.BlockSpec((1, 2 * FSS), lambda i: (0, 0)),
            pl.BlockSpec((2 * FSS, FSS), lambda i: (0, 0)),
            pl.BlockSpec((1, FSS), lambda i: (0, 0)),
        ],
        out_specs=pl.BlockSpec((_BLK3, 16), lambda i: (i, 0)),
        out_shape=jax.ShapeDtypeStruct((E, 16), jnp.float32),
    )(fb_edges, edim2, w1, b1.reshape(1, -1), w2, b2.reshape(1, -1))


def _tc_damp(pvb16, p0, p1):
    def body(p_ref, a_ref, b_ref, o_ref):
        o_ref[...] = 0.5 * p_ref[...] + 0.5 * (a_ref[...] + b_ref[...])

    return pl.pallas_call(
        body,
        out_shape=jax.ShapeDtypeStruct((V, 16), jnp.float32),
    )(pvb16, p0, p1)


def _tc_avals(nvb_e, ftov16):

    def body(n_ref, f_ref, o_ref):
        f = f_ref[...]
        vt = n_ref[...][:, 0:C] - f[:, 0:C]
        m0 = f[:, C:2 * C]
        a0 = vt * m0
        a1 = vt - a0
        o_ref[...] = jnp.concatenate([a0, a1], axis=1)

    return pl.pallas_call(
        body,
        grid=(E // _BLKA,),
        in_specs=[
            pl.BlockSpec((_BLKA, 16), lambda i: (i, 0)),
            pl.BlockSpec((_BLKA, 16), lambda i: (i, 0)),
        ],
        out_specs=pl.BlockSpec((_BLKA, 16), lambda i: (i, 0)),
        out_shape=jax.ShapeDtypeStruct((E, 16), jnp.float32),
    )(nvb_e, ftov16)


def _tc_mlp4(pot, av, w1, b1, w2, b2):

    def body(p_ref, a_ref, w1_ref, b1_ref, w2_ref, b2_ref, o_ref):
        a = a_ref[...]
        ii = lax.broadcasted_iota(jnp.int32, (16, FSS), 0)
        cc = lax.broadcasted_iota(jnp.int32, (16, FSS), 1)
        rt = jnp.where(ii < C, (cc // C == ii).astype(jnp.float32),
                       (cc % C == ii - C).astype(jnp.float32))
        x = (p_ref[...]
             + jnp.dot(a, rt, preferred_element_type=jnp.float32))
        e = jnp.exp(x)
        h = jnp.maximum(
            jnp.dot(e, w1_ref[...], preferred_element_type=jnp.float32)
            + b1_ref[...], 0.0)
        z = jnp.maximum(
            jnp.dot(h, w2_ref[...], preferred_element_type=jnp.float32)
            + b2_ref[...], 0.0) + 1e-19
        o_ref[...] = jnp.log(z)

    return pl.pallas_call(
        body,
        grid=(F // _BLK4,),
        in_specs=[
            pl.BlockSpec((_BLK4, FSS), lambda i: (i, 0)),
            pl.BlockSpec((_BLK4, 16), lambda i: (i, 0)),
            pl.BlockSpec((FSS, 2 * FSS), lambda i: (0, 0)),
            pl.BlockSpec((1, 2 * FSS), lambda i: (0, 0)),
            pl.BlockSpec((2 * FSS, FSS), lambda i: (0, 0)),
            pl.BlockSpec((1, FSS), lambda i: (0, 0)),
        ],
        out_specs=pl.BlockSpec((_BLK4, FSS), lambda i: (i, 0)),
        out_shape=jax.ShapeDtypeStruct((F, FSS), jnp.float32),
    )(pot, av, w1, b1.reshape(1, -1), w2, b2.reshape(1, -1))


def kernel(factor_potentials, prev_factor_beliefs, prev_var_beliefs,
           edge_factor_idx, edge_var_idx, edge_dim,
           W3_1, b3_1, W3_2, b3_2, W4_1, b4_1, W4_2, b4_2):
    efi = edge_factor_idx.astype(jnp.int32)
    evi = edge_var_idx.astype(jnp.int32)
    edim2 = edge_dim.astype(jnp.int32).reshape(E, 1)
    pfb = jnp.pad(prev_factor_beliefs.reshape(F, FSS), ((0, 0), (0, 64)))
    pot = factor_potentials.reshape(F, FSS)
    pvb16 = jnp.pad(prev_var_beliefs, ((0, 0), (0, 16 - C)))
    zeros16 = jnp.zeros((FH + 8, 16), jnp.float32)

    fb_edges = _sc_gather(pfb, efi, chunk=1000)
    ftov16 = _tc_mlp3(fb_edges, edim2, W3_1, b3_1, W3_2, b3_2)
    vparts = _sc_var_scatter(ftov16, evi, zeros16)
    nvb16 = _tc_damp(pvb16, vparts[0], vparts[1])
    nvb_e = _sc_gather(nvb16, evi, chunk=2000)
    avals = _tc_avals(nvb_e, ftov16)
    av = _sc_factor_scatter(avals, efi, zeros16)
    nf = _tc_mlp4(pot, av, W4_1, b4_1, W4_2, b4_2)

    return nvb16[:, :C], nf.reshape(F, C, C)

# --- scband reference (transcript-rebuilt; emitter-appended) ---
"""Pipeline reference for scband-factor-graph-msg-passing-layer-no-double-counting-38740605010350 (READ-ONLY COPY).

The authoritative reference and input builder live on the scoring server;
editing this copy changes nothing except your own understanding.
"""

import jax, jax.numpy as jnp
import numpy as np

NUM_VARS = 10000
NUM_FACTORS = 160000
NUM_EDGES = 320000
VAR_CARD = 8
FSS = VAR_CARD * VAR_CARD  # 64


def _mlp_lne(x_log, W1, b1, W2, b2):
    # lne_mlp=True: exponentiate, run MLP, shifted-relu (shift=1e-19), back to log space
    x = jnp.exp(x_log)
    h = jax.nn.relu(x @ W1 + b1)
    y = jax.nn.relu(h @ W2 + b2) + 1e-19
    return jnp.log(y)


def setup_inputs(seed: int = 0) -> dict:
    key = jax.random.key(seed)
    ks = jax.random.split(key, 16)
    s1 = np.float32(1.0 / np.sqrt(FSS))
    s2 = np.float32(1.0 / np.sqrt(2 * FSS))
    inp = {
        "factor_potentials": jax.random.normal(ks[0], (NUM_FACTORS, VAR_CARD, VAR_CARD), dtype=jnp.float32),
        "prev_factor_beliefs": jax.random.normal(ks[1], (NUM_FACTORS, VAR_CARD, VAR_CARD), dtype=jnp.float32),
        "prev_var_beliefs": jax.random.normal(ks[2], (NUM_VARS, VAR_CARD), dtype=jnp.float32),
        "edge_factor_idx": jax.random.randint(ks[3], (NUM_EDGES,), 0, NUM_FACTORS),
        "edge_var_idx": jax.random.randint(ks[4], (NUM_EDGES,), 0, NUM_VARS),
        "edge_dim": jax.random.randint(ks[5], (NUM_EDGES,), 0, 2),
        "W3_1": jax.random.normal(ks[6], (FSS, 2 * FSS), dtype=jnp.float32) * s1,
        "b3_1": jnp.zeros((2 * FSS,), dtype=jnp.float32),
        "W3_2": jax.random.normal(ks[7], (2 * FSS, FSS), dtype=jnp.float32) * s2,
        "b3_2": jnp.zeros((FSS,), dtype=jnp.float32),
        "W4_1": jax.random.normal(ks[8], (FSS, 2 * FSS), dtype=jnp.float32) * s1,
        "b4_1": jnp.zeros((2 * FSS,), dtype=jnp.float32),
        "W4_2": jax.random.normal(ks[9], (2 * FSS, FSS), dtype=jnp.float32) * s2,
        "b4_2": jnp.zeros((FSS,), dtype=jnp.float32),
    }
    return inp


def reference(factor_potentials, prev_factor_beliefs, prev_var_beliefs,
              edge_factor_idx, edge_var_idx, edge_dim,
              W3_1, b3_1, W3_2, b3_2, W4_1, b4_1, W4_2, b4_2):
    E = edge_factor_idx.shape[0]
    # map_beliefs('factor'): gather factor beliefs onto edges
    fb_edges = jnp.take(prev_factor_beliefs, edge_factor_idx, axis=0)  # [E, C, C]
    # MLP3 on gathered factor beliefs (lne space)
    fb_flat = _mlp_lne(fb_edges.reshape(E, FSS), W3_1, b3_1, W3_2, b3_2)
    fb_edges = fb_flat.reshape(E, VAR_CARD, VAR_CARD)
    # factor->variable messages: logsumexp-marginalize out the non-edge dimension
    m0 = jax.nn.logsumexp(fb_edges, axis=2)  # edge var lives on dim 0
    m1 = jax.nn.logsumexp(fb_edges, axis=1)  # edge var lives on dim 1
    fTOv = jnp.where(edge_dim[:, None] == 0, m0, m1)  # [E, C]
    # aggregate at variables (scatter-add), damped update of var beliefs
    agg = jax.ops.segment_sum(fTOv, edge_var_idx, num_segments=NUM_VARS)
    new_var_beliefs = 0.5 * prev_var_beliefs + 0.5 * agg
    # variable->factor messages without double counting: divide out incoming msg (log space)
    vTOf = jnp.take(new_var_beliefs, edge_var_idx, axis=0) - fTOv  # [E, C]
    # expand messages along the edge dimension and scatter back to factors
    c0 = jnp.broadcast_to(vTOf[:, :, None], (E, VAR_CARD, VAR_CARD))
    c1 = jnp.broadcast_to(vTOf[:, None, :], (E, VAR_CARD, VAR_CARD))
    contrib = jnp.where(edge_dim[:, None, None] == 0, c0, c1)
    nf = factor_potentials + jax.ops.segment_sum(contrib, edge_factor_idx, num_segments=NUM_FACTORS)
    # MLP4 on updated factor beliefs (lne space)
    nf = _mlp_lne(nf.reshape(NUM_FACTORS, FSS), W4_1, b4_1, W4_2, b4_2)
    nf = nf.reshape(NUM_FACTORS, VAR_CARD, VAR_CARD)
    return new_var_beliefs, nf

if __name__ == "__main__":
    import jax
    _d = setup_inputs()
    print(jax.jit(kernel)(*tuple(_d.values())))

</pallas_src>

<mosaic_0001>
#map = affine_map<(d0, d1) -> (0, 0)>
#map1 = affine_map<(d0, d1) -> (0)>
module attributes {stable_mosaic.version = 14 : i64} {
  func.func @k(%arg0: i32, %arg1: i32, %arg2: memref<160000x128xf32, #tpu.memory_space<hbm>>, %arg3: memref<320000xi32, #tpu.memory_space<hbm>>, %arg4: memref<320000x128xf32, #tpu.memory_space<hbm>>, %arg5: memref<1000xi32, #tpu.memory_space<vmem>>, %arg6: memref<1000x128xf32, #tpu.memory_space<vmem>>) attributes {dimension_semantics = [#tpu.dimension_semantics<core_parallel>, #tpu.dimension_semantics<subcore_parallel>], iteration_bounds = array<i64: 2, 16>, scalar_prefetch = 0 : i64, scratch_operands = 2 : i64, tpu.core_type = #tpu.core_type<sc_vector_subcore>, window_params = [{transform_indices = #map}, {transform_indices = #map1}, {transform_indices = #map}]} {
    %mul3A = arith.constant 2 : i32
    %mul3A_0 = arith.muli %arg1, %mul3A : i32
    %add3A = arith.addi %mul3A_0, %arg0 : i32
    %mul3A_1 = arith.constant 10000 : i32
    %mul3A_2 = arith.muli %add3A, %mul3A_1 : i32
    %scan3A = arith.constant 0 : i32
    %scan3A_3 = arith.constant 10 : i32
    %scan3A_4 = arith.addi %scan3A, %scan3A_3 : i32
    %scan3A_5 = arith.constant 1 : i32
    scf.for %scan3A_7 = %scan3A to %scan3A_4 step %scan3A_5  : i32 {
      %mul3A_8 = arith.constant 1 : i32
      %mul3A_9 = arith.muli %scan3A_7, %mul3A_8 : i32
      %add3A_10 = arith.constant 0 : i32
      %add3A_11 = arith.addi %add3A_10, %mul3A_9 : i32
      %mul3A_12 = arith.constant 1000 : i32
      %mul3A_13 = arith.muli %add3A_11, %mul3A_12 : i32
      %add3A_14 = arith.addi %mul3A_2, %mul3A_13 : i32
      "tpu.region"() ({
        %run_scoped3A = tpu.sem_alloc : memref<!tpu.dma_semaphore, #tpu.memory_space<semaphore_mem>>
        %dma_start3A = tpu.memref_slice %arg3[%add3A_14] : memref<320000xi32, #tpu.memory_space<hbm>> -> memref<1000xi32, #tpu.memory_space<hbm>>
        %dma_start3A_15 = tpu.memref_slice %arg3[%add3A_14] : memref<320000xi32, #tpu.memory_space<hbm>> -> memref<1000xi32, #tpu.memory_space<hbm>>
        tpu.enqueue_dma source(%dma_start3A_15 : memref<1000xi32, #tpu.memory_space<hbm>>) target(%arg5 : memref<1000xi32, #tpu.memory_space<vmem>>) target_semaphore(%run_scoped3A : memref<!tpu.dma_semaphore, #tpu.memory_space<semaphore_mem>>)
        %dma_wait3A = tpu.memref_slice %arg3[%add3A_14] : memref<320000xi32, #tpu.memory_space<hbm>> -> memref<1000xi32, #tpu.memory_space<hbm>>
        %dma_wait3A_16 = tpu.memref_slice %arg3[%add3A_14] : memref<320000xi32, #tpu.memory_space<hbm>> -> memref<1000xi32, #tpu.memory_space<hbm>>
        tpu.wait_dma2 semaphore(%run_scoped3A : memref<!tpu.dma_semaphore, #tpu.memory_space<semaphore_mem>>) src(%dma_wait3A_16 : memref<1000xi32, #tpu.memory_space<hbm>>) dst(%arg5 : memref<1000xi32, #tpu.memory_space<vmem>>)
        tpu.yield
      }) : () -> ()
      "tpu.region"() ({
        %run_scoped3A = tpu.sem_alloc : memref<!tpu.dma_semaphore, #tpu.memory_space<semaphore_mem>>
        %dma_start3A = arith.constant 0 : i32
        %dma_start3A_15 = arith.constant 0 : i32
        %dma_start3A_16 = tpu.memref_slice %arg2[%dma_start3A, %dma_start3A_15] : memref<160000x128xf32, #tpu.memory_space<hbm>> -> memref<160000x128xf32, #tpu.memory_space<hbm>>
        tpu.enqueue_indirect_dma source(%dma_start3A_16 : memref<160000x128xf32, #tpu.memory_space<hbm>>) target(%arg6 : memref<1000x128xf32, #tpu.memory_space<vmem>>) offsets(%arg5 : memref<1000xi32, #tpu.memory_space<vmem>>) semaphore(%run_scoped3A : memref<!tpu.dma_semaphore, #tpu.memory_space<semaphore_mem>>)
        %dma_wait3A = arith.constant 0 : i32
        %dma_wait3A_17 = arith.constant 0 : i32
        %dma_wait3A_18 = tpu.memref_slice %arg2[%dma_wait3A, %dma_wait3A_17] : memref<160000x128xf32, #tpu.memory_space<hbm>> -> memref<160000x128xf32, #tpu.memory_space<hbm>>
        tpu.wait_indirect_dma semaphore(%run_scoped3A : memref<!tpu.dma_semaphore, #tpu.memory_space<semaphore_mem>>) src(%dma_wait3A_18 : memref<160000x128xf32, #tpu.memory_space<hbm>>) dst(%arg6 : memref<1000x128xf32, #tpu.memory_space<vmem>>)
        tpu.yield
      }) : () -> ()
      "tpu.region"() ({
        %run_scoped3A = tpu.sem_alloc : memref<!tpu.dma_semaphore, #tpu.memory_space<semaphore_mem>>
        %dma_start3A = arith.constant 0 : i32
        %dma_start3A_15 = tpu.memref_slice %arg4[%add3A_14, %dma_start3A] : memref<320000x128xf32, #tpu.memory_space<hbm>> -> memref<1000x128xf32, #tpu.memory_space<hbm>>
        %dma_start3A_16 = arith.constant 0 : i32
        %dma_start3A_17 = tpu.memref_slice %arg4[%add3A_14, %dma_start3A_16] : memref<320000x128xf32, #tpu.memory_space<hbm>> -> memref<1000x128xf32, #tpu.memory_space<hbm>>
        tpu.enqueue_dma source(%arg6 : memref<1000x128xf32, #tpu.memory_space<vmem>>) target(%dma_start3A_17 : memref<1000x128xf32, #tpu.memory_space<hbm>>) target_semaphore(%run_scoped3A : memref<!tpu.dma_semaphore, #tpu.memory_space<semaphore_mem>>)
        %dma_wait3A = arith.constant 0 : i32
        %dma_wait3A_18 = tpu.memref_slice %arg4[%add3A_14, %dma_wait3A] : memref<320000x128xf32, #tpu.memory_space<hbm>> -> memref<1000x128xf32, #tpu.memory_space<hbm>>
        %dma_wait3A_19 = arith.constant 0 : i32
        %dma_wait3A_20 = tpu.memref_slice %arg4[%add3A_14, %dma_wait3A_19] : memref<320000x128xf32, #tpu.memory_space<hbm>> -> memref<1000x128xf32, #tpu.memory_space<hbm>>
        tpu.wait_dma2 semaphore(%run_scoped3A : memref<!tpu.dma_semaphore, #tpu.memory_space<semaphore_mem>>) src(%arg6 : memref<1000x128xf32, #tpu.memory_space<vmem>>) dst(%dma_wait3A_20 : memref<1000x128xf32, #tpu.memory_space<hbm>>)
        tpu.yield
      }) : () -> ()
    }
    %scan3A_6 = arith.constant 10 : i32
    return
  }
}

#map = affine_map<(d0, d1) -> (0, 0)>
#map1 = affine_map<(d0, d1) -> (0)>
#map2 = affine_map<(d0, d1) -> (0, 0, 0)>
module attributes {stable_mosaic.version = 14 : i64} {
  func.func @k(%arg0: i32, %arg1: i32, %arg2: memref<320000x16xf32, #tpu.memory_space<hbm>>, %arg3: memref<320000xi32, #tpu.memory_space<hbm>>, %arg4: memref<80008x16xf32, #tpu.memory_space<hbm>>, %arg5: memref<2x10000x16xf32, #tpu.memory_space<hbm>>, %arg6: memref<1000xi32, #tpu.memory_space<vmem>>, %arg7: memref<1000x16xf32, #tpu.memory_space<vmem>>, %arg8: memref<10000x16xf32, #tpu.memory_space<vmem_shared>>) attributes {dimension_semantics = [#tpu.dimension_semantics<core_parallel>, #tpu.dimension_semantics<subcore_parallel>], iteration_bounds = array<i64: 2, 16>, scalar_prefetch = 0 : i64, scratch_operands = 3 : i64, tpu.core_type = #tpu.core_type<sc_vector_subcore>, window_params = [{transform_indices = #map}, {transform_indices = #map1}, {transform_indices = #map}, {transform_indices = #map2}]} {
    %eq3A = arith.constant 0 : i32
    %eq3A_0 = arith.cmpi eq, %arg1, %eq3A : i32
    %convert_element_type3A = arith.extui %eq3A_0 : i1 to i32
    %cond3A = arith.constant 0 : i32
    %cond3A_1 = arith.cmpi ne, %convert_element_type3A, %cond3A : i32
    scf.if %cond3A_1 {
      "tpu.region"() ({
        %run_scoped3A = tpu.sem_alloc : memref<!tpu.dma_semaphore, #tpu.memory_space<semaphore_mem>>
        %dma_start3A = arith.constant 0 : i32
        %dma_start3A_14 = arith.constant 0 : i32
        %dma_start3A_15 = tpu.memref_slice %arg4[%dma_start3A, %dma_start3A_14] : memref<80008x16xf32, #tpu.memory_space<hbm>> -> memref<10000x16xf32, #tpu.memory_space<hbm>>
        tpu.enqueue_dma source(%dma_start3A_15 : memref<10000x16xf32, #tpu.memory_space<hbm>>) target(%arg8 : memref<10000x16xf32, #tpu.memory_space<vmem_shared>>) target_semaphore(%run_scoped3A : memref<!tpu.dma_semaphore, #tpu.memory_space<semaphore_mem>>)
        %dma_wait3A = arith.constant 0 : i32
        %dma_wait3A_16 = arith.constant 0 : i32
        %dma_wait3A_17 = tpu.memref_slice %arg4[%dma_wait3A, %dma_wait3A_16] : memref<80008x16xf32, #tpu.memory_space<hbm>> -> memref<10000x16xf32, #tpu.memory_space<hbm>>
        tpu.wait_dma2 semaphore(%run_scoped3A : memref<!tpu.dma_semaphore, #tpu.memory_space<semaphore_mem>>) src(%dma_wait3A_17 : memref<10000x16xf32, #tpu.memory_space<hbm>>) dst(%arg8 : memref<10000x16xf32, #tpu.memory_space<vmem_shared>>)
        tpu.yield
      }) : () -> ()
    } else {
    }
    %barrier3A = arith.constant 0 : index
    tpu.barrier barrier_id(%barrier3A)
    %mul3A = arith.constant 160000 : i32
    %mul3A_2 = arith.muli %arg0, %mul3A : i32
    %mul3A_3 = arith.constant 10000 : i32
    %mul3A_4 = arith.muli %arg1, %mul3A_3 : i32
    %add3A = arith.addi %mul3A_2, %mul3A_4 : i32
    %scan3A = arith.constant 0 : i32
    %scan3A_5 = arith.constant 10 : i32
    %scan3A_6 = arith.addi %scan3A, %scan3A_5 : i32
    %scan3A_7 = arith.constant 1 : i32
    scf.for %scan3A_14 = %scan3A to %scan3A_6 step %scan3A_7  : i32 {
      %mul3A_15 = arith.constant 1 : i32
      %mul3A_16 = arith.muli %scan3A_14, %mul3A_15 : i32
      %add3A_17 = arith.constant 0 : i32
      %add3A_18 = arith.addi %add3A_17, %mul3A_16 : i32
      %mul3A_19 = arith.constant 1000 : i32
      %mul3A_20 = arith.muli %add3A_18, %mul3A_19 : i32
      %add3A_21 = arith.addi %add3A, %mul3A_20 : i32
      "tpu.region"() ({
        %run_scoped3A = tpu.sem_alloc : memref<!tpu.dma_semaphore, #tpu.memory_space<semaphore_mem>>
        %dma_start3A = tpu.memref_slice %arg3[%add3A_21] : memref<320000xi32, #tpu.memory_space<hbm>> -> memref<1000xi32, #tpu.memory_space<hbm>>
        %dma_start3A_22 = tpu.memref_slice %arg3[%add3A_21] : memref<320000xi32, #tpu.memory_space<hbm>> -> memref<1000xi32, #tpu.memory_space<hbm>>
        tpu.enqueue_dma source(%dma_start3A_22 : memref<1000xi32, #tpu.memory_space<hbm>>) target(%arg6 : memref<1000xi32, #tpu.memory_space<vmem>>) target_semaphore(%run_scoped3A : memref<!tpu.dma_semaphore, #tpu.memory_space<semaphore_mem>>)
        %dma_wait3A = tpu.memref_slice %arg3[%add3A_21] : memref<320000xi32, #tpu.memory_space<hbm>> -> memref<1000xi32, #tpu.memory_space<hbm>>
        %dma_wait3A_23 = tpu.memref_slice %arg3[%add3A_21] : memref<320000xi32, #tpu.memory_space<hbm>> -> memref<1000xi32, #tpu.memory_space<hbm>>
        tpu.wait_dma2 semaphore(%run_scoped3A : memref<!tpu.dma_semaphore, #tpu.memory_space<semaphore_mem>>) src(%dma_wait3A_23 : memref<1000xi32, #tpu.memory_space<hbm>>) dst(%arg6 : memref<1000xi32, #tpu.memory_space<vmem>>)
        tpu.yield
      }) : () -> ()
      "tpu.region"() ({
        %run_scoped3A = tpu.sem_alloc : memref<!tpu.dma_semaphore, #tpu.memory_space<semaphore_mem>>
        %dma_start3A = arith.constant 0 : i32
        %dma_start3A_22 = tpu.memref_slice %arg2[%add3A_21, %dma_start3A] : memref<320000x16xf32, #tpu.memory_space<hbm>> -> memref<1000x16xf32, #tpu.memory_space<hbm>>
        %dma_start3A_23 = arith.constant 0 : i32
        %dma_start3A_24 = tpu.memref_slice %arg2[%add3A_21, %dma_start3A_23] : memref<320000x16xf32, #tpu.memory_space<hbm>> -> memref<1000x16xf32, #tpu.memory_space<hbm>>
        tpu.enqueue_dma source(%dma_start3A_24 : memref<1000x16xf32, #tpu.memory_space<hbm>>) target(%arg7 : memref<1000x16xf32, #tpu.memory_space<vmem>>) target_semaphore(%run_scoped3A : memref<!tpu.dma_semaphore, #tpu.memory_space<semaphore_mem>>)
        %dma_wait3A = arith.constant 0 : i32
        %dma_wait3A_25 = tpu.memref_slice %arg2[%add3A_21, %dma_wait3A] : memref<320000x16xf32, #tpu.memory_space<hbm>> -> memref<1000x16xf32, #tpu.memory_space<hbm>>
        %dma_wait3A_26 = arith.constant 0 : i32
        %dma_wait3A_27 = tpu.memref_slice %arg2[%add3A_21, %dma_wait3A_26] : memref<320000x16xf32, #tpu.memory_space<hbm>> -> memref<1000x16xf32, #tpu.memory_space<hbm>>
        tpu.wait_dma2 semaphore(%run_scoped3A : memref<!tpu.dma_semaphore, #tpu.memory_space<semaphore_mem>>) src(%dma_wait3A_27 : memref<1000x16xf32, #tpu.memory_space<hbm>>) dst(%arg7 : memref<1000x16xf32, #tpu.memory_space<vmem>>)
        tpu.yield
      }) : () -> ()
      "tpu.region"() ({
        %run_scoped3A = tpu.sem_alloc : memref<!tpu.dma_semaphore, #tpu.memory_space<semaphore_mem>>
        %dma_start3A = arith.constant 0 : i32
        %dma_start3A_22 = arith.constant 0 : i32
        %dma_start3A_23 = tpu.memref_slice %arg8[%dma_start3A, %dma_start3A_22] : memref<10000x16xf32, #tpu.memory_space<vmem_shared>> -> memref<10000x16xf32, #tpu.memory_space<vmem_shared>>
        tpu.enqueue_indirect_dma source(%arg7 : memref<1000x16xf32, #tpu.memory_space<vmem>>) target(%dma_start3A_23 : memref<10000x16xf32, #tpu.memory_space<vmem_shared>>) offsets(%arg6 : memref<1000xi32, #tpu.memory_space<vmem>>) semaphore(%run_scoped3A : memref<!tpu.dma_semaphore, #tpu.memory_space<semaphore_mem>>) {add = true}
        %dma_wait3A = arith.constant 0 : i32
        %dma_wait3A_24 = arith.constant 0 : i32
        %dma_wait3A_25 = tpu.memref_slice %arg8[%dma_wait3A, %dma_wait3A_24] : memref<10000x16xf32, #tpu.memory_space<vmem_shared>> -> memref<10000x16xf32, #tpu.memory_space<vmem_shared>>
        tpu.wait_indirect_dma semaphore(%run_scoped3A : memref<!tpu.dma_semaphore, #tpu.memory_space<semaphore_mem>>) src(%arg7 : memref<1000x16xf32, #tpu.memory_space<vmem>>) dst(%dma_wait3A_25 : memref<10000x16xf32, #tpu.memory_space<vmem_shared>>)
        tpu.yield
      }) : () -> ()
    }
    %scan3A_8 = arith.constant 10 : i32
    %barrier3A_9 = arith.constant 0 : index
    tpu.barrier barrier_id(%barrier3A_9)
    %lt3A = arith.constant 8 : i32
    %lt3A_10 = arith.cmpi slt, %arg1, %lt3A : i32
    %convert_element_type3A_11 = arith.extui %lt3A_10 : i1 to i32
    %cond3A_12 = arith.constant 0 : i32
    %cond3A_13 = arith.cmpi ne, %convert_element_type3A_11, %cond3A_12 : i32
    scf.if %cond3A_13 {
      %mul3A_14 = arith.constant 1250 : i32
      %mul3A_15 = arith.muli %arg1, %mul3A_14 : i32
      %mul3A_16 = arith.constant 1250 : i32
      %mul3A_17 = arith.muli %arg1, %mul3A_16 : i32
      "tpu.region"() ({
        %run_scoped3A = tpu.sem_alloc : memref<!tpu.dma_semaphore, #tpu.memory_space<semaphore_mem>>
        %dma_start3A = arith.constant 0 : i32
        %dma_start3A_18 = arith.constant 0 : i32
        %dma_start3A_19 = tpu.memref_slice %arg5[%arg0, %dma_start3A, %dma_start3A_18] : memref<2x10000x16xf32, #tpu.memory_space<hbm>> -> memref<1x10000x16xf32, #tpu.memory_space<hbm>>
        %dma_start3A_20 = tpu.memref_squeeze %dma_start3A_19 : memref<1x10000x16xf32, #tpu.memory_space<hbm>> -> memref<10000x16xf32, #tpu.memory_space<hbm>>
        %dma_start3A_21 = arith.constant 0 : i32
        %dma_start3A_22 = tpu.memref_slice %dma_start3A_20[%mul3A_17, %dma_start3A_21] : memref<10000x16xf32, #tpu.memory_space<hbm>> -> memref<1250x16xf32, #tpu.memory_space<hbm>>
        %dma_start3A_23 = arith.constant 0 : i32
        %dma_start3A_24 = tpu.memref_slice %arg8[%mul3A_15, %dma_start3A_23] : memref<10000x16xf32, #tpu.memory_space<vmem_shared>> -> memref<1250x16xf32, #tpu.memory_space<vmem_shared>>
        tpu.enqueue_dma source(%dma_start3A_24 : memref<1250x16xf32, #tpu.memory_space<vmem_shared>>) target(%dma_start3A_22 : memref<1250x16xf32, #tpu.memory_space<hbm>>) target_semaphore(%run_scoped3A : memref<!tpu.dma_semaphore, #tpu.memory_space<semaphore_mem>>)
        %dma_wait3A = arith.constant 0 : i32
        %dma_wait3A_25 = arith.constant 0 : i32
        %dma_wait3A_26 = tpu.memref_slice %arg5[%arg0, %dma_wait3A, %dma_wait3A_25] : memref<2x10000x16xf32, #tpu.memory_space<hbm>> -> memref<1x10000x16xf32, #tpu.memory_space<hbm>>
        %dma_wait3A_27 = tpu.memref_squeeze %dma_wait3A_26 : memref<1x10000x16xf32, #tpu.memory_space<hbm>> -> memref<10000x16xf32, #tpu.memory_space<hbm>>
        %dma_wait3A_28 = arith.constant 0 : i32
        %dma_wait3A_29 = tpu.memref_slice %dma_wait3A_27[%mul3A_17, %dma_wait3A_28] : memref<10000x16xf32, #tpu.memory_space<hbm>> -> memref<1250x16xf32, #tpu.memory_space<hbm>>
        %dma_wait3A_30 = arith.constant 0 : i32
        %dma_wait3A_31 = tpu.memref_slice %arg8[%mul3A_15, %dma_wait3A_30] : memref<10000x16xf32, #tpu.memory_space<vmem_shared>> -> memref<1250x16xf32, #tpu.memory_space<vmem_shared>>
        tpu.wait_dma2 semaphore(%run_scoped3A : memref<!tpu.dma_semaphore, #tpu.memory_space<semaphore_mem>>) src(%dma_wait3A_31 : memref<1250x16xf32, #tpu.memory_space<vmem_shared>>) dst(%dma_wait3A_29 : memref<1250x16xf32, #tpu.memory_space<hbm>>)
        tpu.yield
      }) : () -> ()
    } else {
    }
    return
  }
}

#map = affine_map<(d0, d1) -> (0, 0)>
#map1 = affine_map<(d0, d1) -> (0)>
module attributes {stable_mosaic.version = 14 : i64} {
  func.func @k(%arg0: i32, %arg1: i32, %arg2: memref<320000x16xf32, #tpu.memory_space<hbm>>, %arg3: memref<320000xi32, #tpu.memory_space<hbm>>, %arg4: memref<80008x16xf32, #tpu.memory_space<hbm>>, %arg5: memref<160000x16xf32, #tpu.memory_space<hbm>>, %arg6: memref<800xi32, #tpu.memory_space<vmem>>, %arg7: memref<800x16xf32, #tpu.memory_space<vmem>>, %arg8: memref<80008x16xf32, #tpu.memory_space<vmem_shared>>) attributes {dimension_semantics = [#tpu.dimension_semantics<core_parallel>, #tpu.dimension_semantics<subcore_parallel>], iteration_bounds = array<i64: 2, 16>, scalar_prefetch = 0 : i64, scratch_operands = 3 : i64, tpu.core_type = #tpu.core_type<sc_vector_subcore>, window_params = [{transform_indices = #map}, {transform_indices = #map1}, {transform_indices = #map}, {transform_indices = #map}]} {
    %eq3A = arith.constant 0 : i32
    %eq3A_0 = arith.cmpi eq, %arg1, %eq3A : i32
    %convert_element_type3A = arith.extui %eq3A_0 : i1 to i32
    %cond3A = arith.constant 0 : i32
    %cond3A_1 = arith.cmpi ne, %convert_element_type3A, %cond3A : i32
    scf.if %cond3A_1 {
      "tpu.region"() ({
        %run_scoped3A = tpu.sem_alloc : memref<!tpu.dma_semaphore, #tpu.memory_space<semaphore_mem>>
        tpu.enqueue_dma source(%arg4 : memref<80008x16xf32, #tpu.memory_space<hbm>>) target(%arg8 : memref<80008x16xf32, #tpu.memory_space<vmem_shared>>) target_semaphore(%run_scoped3A : memref<!tpu.dma_semaphore, #tpu.memory_space<semaphore_mem>>)
        tpu.wait_dma2 semaphore(%run_scoped3A : memref<!tpu.dma_semaphore, #tpu.memory_space<semaphore_mem>>) src(%arg4 : memref<80008x16xf32, #tpu.memory_space<hbm>>) dst(%arg8 : memref<80008x16xf32, #tpu.memory_space<vmem_shared>>)
        tpu.yield
      }) : () -> ()
    } else {
    }
    %barrier3A = arith.constant 0 : index
    tpu.barrier barrier_id(%barrier3A)
    %mul3A = arith.constant 20000 : i32
    %mul3A_2 = arith.muli %arg1, %mul3A : i32
    %mul3A_3 = arith.constant 80000 : i32
    %mul3A_4 = arith.muli %arg0, %mul3A_3 : i32
    %scan3A = arith.constant 0 : i32
    %scan3A_5 = arith.constant 25 : i32
    %scan3A_6 = arith.addi %scan3A, %scan3A_5 : i32
    %scan3A_7 = arith.constant 1 : i32
    scf.for %scan3A_16 = %scan3A to %scan3A_6 step %scan3A_7  : i32 {
      %mul3A_17 = arith.constant 1 : i32
      %mul3A_18 = arith.muli %scan3A_16, %mul3A_17 : i32
      %add3A_19 = arith.constant 0 : i32
      %add3A_20 = arith.addi %add3A_19, %mul3A_18 : i32
      %mul3A_21 = arith.constant 800 : i32
      %mul3A_22 = arith.muli %add3A_20, %mul3A_21 : i32
      %add3A_23 = arith.addi %mul3A_2, %mul3A_22 : i32
      "tpu.region"() ({
        %run_scoped3A = tpu.sem_alloc : memref<!tpu.dma_semaphore, #tpu.memory_space<semaphore_mem>>
        %dma_start3A = tpu.memref_slice %arg3[%add3A_23] : memref<320000xi32, #tpu.memory_space<hbm>> -> memref<800xi32, #tpu.memory_space<hbm>>
        %dma_start3A_29 = tpu.memref_slice %arg3[%add3A_23] : memref<320000xi32, #tpu.memory_space<hbm>> -> memref<800xi32, #tpu.memory_space<hbm>>
        tpu.enqueue_dma source(%dma_start3A_29 : memref<800xi32, #tpu.memory_space<hbm>>) target(%arg6 : memref<800xi32, #tpu.memory_space<vmem>>) target_semaphore(%run_scoped3A : memref<!tpu.dma_semaphore, #tpu.memory_space<semaphore_mem>>)
        %dma_wait3A = tpu.memref_slice %arg3[%add3A_23] : memref<320000xi32, #tpu.memory_space<hbm>> -> memref<800xi32, #tpu.memory_space<hbm>>
        %dma_wait3A_30 = tpu.memref_slice %arg3[%add3A_23] : memref<320000xi32, #tpu.memory_space<hbm>> -> memref<800xi32, #tpu.memory_space<hbm>>
        tpu.wait_dma2 semaphore(%run_scoped3A : memref<!tpu.dma_semaphore, #tpu.memory_space<semaphore_mem>>) src(%dma_wait3A_30 : memref<800xi32, #tpu.memory_space<hbm>>) dst(%arg6 : memref<800xi32, #tpu.memory_space<vmem>>)
        tpu.yield
      }) : () -> ()
      "tpu.region"() ({
        %run_scoped3A = tpu.sem_alloc : memref<!tpu.dma_semaphore, #tpu.memory_space<semaphore_mem>>
        %dma_start3A = arith.constant 0 : i32
        %dma_start3A_29 = tpu.memref_slice %arg2[%add3A_23, %dma_start3A] : memref<320000x16xf32, #tpu.memory_space<hbm>> -> memref<800x16xf32, #tpu.memory_space<hbm>>
        %dma_start3A_30 = arith.constant 0 : i32
        %dma_start3A_31 = tpu.memref_slice %arg2[%add3A_23, %dma_start3A_30] : memref<320000x16xf32, #tpu.memory_space<hbm>> -> memref<800x16xf32, #tpu.memory_space<hbm>>
        tpu.enqueue_dma source(%dma_start3A_31 : memref<800x16xf32, #tpu.memory_space<hbm>>) target(%arg7 : memref<800x16xf32, #tpu.memory_space<vmem>>) target_semaphore(%run_scoped3A : memref<!tpu.dma_semaphore, #tpu.memory_space<semaphore_mem>>)
        %dma_wait3A = arith.constant 0 : i32
        %dma_wait3A_32 = tpu.memref_slice %arg2[%add3A_23, %dma_wait3A] : memref<320000x16xf32, #tpu.memory_space<hbm>> -> memref<800x16xf32, #tpu.memory_space<hbm>>
        %dma_wait3A_33 = arith.constant 0 : i32
        %dma_wait3A_34 = tpu.memref_slice %arg2[%add3A_23, %dma_wait3A_33] : memref<320000x16xf32, #tpu.memory_space<hbm>> -> memref<800x16xf32, #tpu.memory_space<hbm>>
        tpu.wait_dma2 semaphore(%run_scoped3A : memref<!tpu.dma_semaphore, #tpu.memory_space<semaphore_mem>>) src(%dma_wait3A_34 : memref<800x16xf32, #tpu.memory_space<hbm>>) dst(%arg7 : memref<800x16xf32, #tpu.memory_space<vmem>>)
        tpu.yield
      }) : () -> ()
      %scan3A_24 = arith.constant 0 : i32
      %scan3A_25 = arith.constant 50 : i32
      %scan3A_26 = arith.addi %scan3A_24, %scan3A_25 : i32
      %scan3A_27 = arith.constant 1 : i32
      scf.for %scan3A_29 = %scan3A_24 to %scan3A_26 step %scan3A_27  : i32 {
        %mul3A_30 = arith.constant 1 : i32
        %mul3A_31 = arith.muli %scan3A_29, %mul3A_30 : i32
        %add3A_32 = arith.constant 0 : i32
        %add3A_33 = arith.addi %add3A_32, %mul3A_31 : i32
        %mul3A_34 = arith.constant 16 : i32
        %mul3A_35 = arith.muli %add3A_33, %mul3A_34 : i32
        %get3A = arith.index_cast %mul3A_35 : i32 to index
        %get3A_36 = tpu.vector_load %arg6[%get3A] {strides = array<i32>} : memref<800xi32, #tpu.memory_space<vmem>>, vector<16xi32>,
        %get3A_37 = vector.shape_cast %get3A_36 : vector<16xi32> to vector<16xi32>
        %sub3A = vector.broadcast %mul3A_4 : i32 to vector<16xi32>
        %sub3A_38 = arith.subi %get3A_37, %sub3A : vector<16xi32>
        %ge3A = arith.constant 0 : i32
        %ge3A_39 = vector.broadcast %ge3A : i32 to vector<16xi32>
        %ge3A_40 = arith.cmpi sge, %sub3A_38, %ge3A_39 : vector<16xi32>
        %lt3A = arith.constant 80000 : i32
        %lt3A_41 = vector.broadcast %lt3A : i32 to vector<16xi32>
        %lt3A_42 = arith.cmpi slt, %sub3A_38, %lt3A_41 : vector<16xi32>
        %and3A = arith.andi %ge3A_40, %lt3A_42 : vector<16xi1>
        %jit3A = arith.constant 80000 : i32
        %broadcast_in_dim3A = vector.broadcast %jit3A : i32 to vector<16xi32>
        %select_n3A = arith.select %and3A, %sub3A_38, %broadcast_in_dim3A : vector<16xi1>, vector<16xi32>
        %swap3A = arith.index_cast %mul3A_35 : i32 to index
        %swap3A_43 = tpu.vector_load %arg6[%swap3A] {strides = array<i32>} : memref<800xi32, #tpu.memory_space<vmem>>, vector<16xi32>,
        %swap3A_44 = vector.shape_cast %swap3A_43 : vector<16xi32> to vector<16xi32>
        %swap3A_45 = vector.shape_cast %select_n3A : vector<16xi32> to vector<16xi32>
        tpu.vector_store %arg6[%swap3A], %swap3A_45 {strides = array<i32>} : memref<800xi32, #tpu.memory_space<vmem>>, vector<16xi32>,
      }
      %scan3A_28 = arith.constant 50 : i32
      "tpu.region"() ({
        %run_scoped3A = tpu.sem_alloc : memref<!tpu.dma_semaphore, #tpu.memory_space<semaphore_mem>>
        %dma_start3A = arith.constant 0 : i32
        %dma_start3A_29 = arith.constant 0 : i32
        %dma_start3A_30 = tpu.memref_slice %arg8[%dma_start3A, %dma_start3A_29] : memref<80008x16xf32, #tpu.memory_space<vmem_shared>> -> memref<80008x16xf32, #tpu.memory_space<vmem_shared>>
        tpu.enqueue_indirect_dma source(%arg7 : memref<800x16xf32, #tpu.memory_space<vmem>>) target(%dma_start3A_30 : memref<80008x16xf32, #tpu.memory_space<vmem_shared>>) offsets(%arg6 : memref<800xi32, #tpu.memory_space<vmem>>) semaphore(%run_scoped3A : memref<!tpu.dma_semaphore, #tpu.memory_space<semaphore_mem>>) {add = true}
        %dma_wait3A = arith.constant 0 : i32
        %dma_wait3A_31 = arith.constant 0 : i32
        %dma_wait3A_32 = tpu.memref_slice %arg8[%dma_wait3A, %dma_wait3A_31] : memref<80008x16xf32, #tpu.memory_space<vmem_shared>> -> memref<80008x16xf32, #tpu.memory_space<vmem_shared>>
        tpu.wait_indirect_dma semaphore(%run_scoped3A : memref<!tpu.dma_semaphore, #tpu.memory_space<semaphore_mem>>) src(%arg7 : memref<800x16xf32, #tpu.memory_space<vmem>>) dst(%dma_wait3A_32 : memref<80008x16xf32, #tpu.memory_space<vmem_shared>>)
        tpu.yield
      }) : () -> ()
    }
    %scan3A_8 = arith.constant 25 : i32
    %barrier3A_9 = arith.constant 0 : index
    tpu.barrier barrier_id(%barrier3A_9)
    %mul3A_10 = arith.constant 5000 : i32
    %mul3A_11 = arith.muli %arg1, %mul3A_10 : i32
    %mul3A_12 = arith.constant 80000 : i32
    %mul3A_13 = arith.muli %arg0, %mul3A_12 : i32
    %mul3A_14 = arith.constant 5000 : i32
    %mul3A_15 = arith.muli %arg1, %mul3A_14 : i32
    %add3A = arith.addi %mul3A_13, %mul3A_15 : i32
    "tpu.region"() ({
      %run_scoped3A = tpu.sem_alloc : memref<!tpu.dma_semaphore, #tpu.memory_space<semaphore_mem>>
      %dma_start3A = arith.constant 0 : i32
      %dma_start3A_16 = tpu.memref_slice %arg5[%add3A, %dma_start3A] : memref<160000x16xf32, #tpu.memory_space<hbm>> -> memref<5000x16xf32, #tpu.memory_space<hbm>>
      %dma_start3A_17 = arith.constant 0 : i32
      %dma_start3A_18 = tpu.memref_slice %arg8[%mul3A_11, %dma_start3A_17] : memref<80008x16xf32, #tpu.memory_space<vmem_shared>> -> memref<5000x16xf32, #tpu.memory_space<vmem_shared>>
      tpu.enqueue_dma source(%dma_start3A_18 : memref<5000x16xf32, #tpu.memory_space<vmem_shared>>) target(%dma_start3A_16 : memref<5000x16xf32, #tpu.memory_space<hbm>>) target_semaphore(%run_scoped3A : memref<!tpu.dma_semaphore, #tpu.memory_space<semaphore_mem>>)
      %dma_wait3A = arith.constant 0 : i32
      %dma_wait3A_19 = tpu.memref_slice %arg5[%add3A, %dma_wait3A] : memref<160000x16xf32, #tpu.memory_space<hbm>> -> memref<5000x16xf32, #tpu.memory_space<hbm>>
      %dma_wait3A_20 = arith.constant 0 : i32
      %dma_wait3A_21 = tpu.memref_slice %arg8[%mul3A_11, %dma_wait3A_20] : memref<80008x16xf32, #tpu.memory_space<vmem_shared>> -> memref<5000x16xf32, #tpu.memory_space<vmem_shared>>
      tpu.wait_dma2 semaphore(%run_scoped3A : memref<!tpu.dma_semaphore, #tpu.memory_space<semaphore_mem>>) src(%dma_wait3A_21 : memref<5000x16xf32, #tpu.memory_space<vmem_shared>>) dst(%dma_wait3A_19 : memref<5000x16xf32, #tpu.memory_space<hbm>>)
      tpu.yield
    }) : () -> ()
    return
  }
}

#map = affine_map<(d0, d1) -> (0, 0)>
#map1 = affine_map<(d0, d1) -> (0)>
module attributes {stable_mosaic.version = 14 : i64} {
  func.func @k(%arg0: i32, %arg1: i32, %arg2: memref<10000x16xf32, #tpu.memory_space<hbm>>, %arg3: memref<320000xi32, #tpu.memory_space<hbm>>, %arg4: memref<320000x16xf32, #tpu.memory_space<hbm>>, %arg5: memref<2000xi32, #tpu.memory_space<vmem>>, %arg6: memref<2000x16xf32, #tpu.memory_space<vmem>>) attributes {dimension_semantics = [#tpu.dimension_semantics<core_parallel>, #tpu.dimension_semantics<subcore_parallel>], iteration_bounds = array<i64: 2, 16>, scalar_prefetch = 0 : i64, scratch_operands = 2 : i64, tpu.core_type = #tpu.core_type<sc_vector_subcore>, window_params = [{transform_indices = #map}, {transform_indices = #map1}, {transform_indices = #map}]} {
    %mul3A = arith.constant 2 : i32
    %mul3A_0 = arith.muli %arg1, %mul3A : i32
    %add3A = arith.addi %mul3A_0, %arg0 : i32
    %mul3A_1 = arith.constant 10000 : i32
    %mul3A_2 = arith.muli %add3A, %mul3A_1 : i32
    %scan3A = arith.constant 0 : i32
    %scan3A_3 = arith.constant 5 : i32
    %scan3A_4 = arith.addi %scan3A, %scan3A_3 : i32
    %scan3A_5 = arith.constant 1 : i32
    scf.for %scan3A_7 = %scan3A to %scan3A_4 step %scan3A_5  : i32 {
      %mul3A_8 = arith.constant 1 : i32
      %mul3A_9 = arith.muli %scan3A_7, %mul3A_8 : i32
      %add3A_10 = arith.constant 0 : i32
      %add3A_11 = arith.addi %add3A_10, %mul3A_9 : i32
      %mul3A_12 = arith.constant 2000 : i32
      %mul3A_13 = arith.muli %add3A_11, %mul3A_12 : i32
      %add3A_14 = arith.addi %mul3A_2, %mul3A_13 : i32
      "tpu.region"() ({
        %run_scoped3A = tpu.sem_alloc : memref<!tpu.dma_semaphore, #tpu.memory_space<semaphore_mem>>
        %dma_start3A = tpu.memref_slice %arg3[%add3A_14] : memref<320000xi32, #tpu.memory_space<hbm>> -> memref<2000xi32, #tpu.memory_space<hbm>>
        %dma_start3A_15 = tpu.memref_slice %arg3[%add3A_14] : memref<320000xi32, #tpu.memory_space<hbm>> -> memref<2000xi32, #tpu.memory_space<hbm>>
        tpu.enqueue_dma source(%dma_start3A_15 : memref<2000xi32, #tpu.memory_space<hbm>>) target(%arg5 : memref<2000xi32, #tpu.memory_space<vmem>>) target_semaphore(%run_scoped3A : memref<!tpu.dma_semaphore, #tpu.memory_space<semaphore_mem>>)
        %dma_wait3A = tpu.memref_slice %arg3[%add3A_14] : memref<320000xi32, #tpu.memory_space<hbm>> -> memref<2000xi32, #tpu.memory_space<hbm>>
        %dma_wait3A_16 = tpu.memref_slice %arg3[%add3A_14] : memref<320000xi32, #tpu.memory_space<hbm>> -> memref<2000xi32, #tpu.memory_space<hbm>>
        tpu.wait_dma2 semaphore(%run_scoped3A : memref<!tpu.dma_semaphore, #tpu.memory_space<semaphore_mem>>) src(%dma_wait3A_16 : memref<2000xi32, #tpu.memory_space<hbm>>) dst(%arg5 : memref<2000xi32, #tpu.memory_space<vmem>>)
        tpu.yield
      }) : () -> ()
      "tpu.region"() ({
        %run_scoped3A = tpu.sem_alloc : memref<!tpu.dma_semaphore, #tpu.memory_space<semaphore_mem>>
        %dma_start3A = arith.constant 0 : i32
        %dma_start3A_15 = arith.constant 0 : i32
        %dma_start3A_16 = tpu.memref_slice %arg2[%dma_start3A, %dma_start3A_15] : memref<10000x16xf32, #tpu.memory_space<hbm>> -> memref<10000x16xf32, #tpu.memory_space<hbm>>
        tpu.enqueue_indirect_dma source(%dma_start3A_16 : memref<10000x16xf32, #tpu.memory_space<hbm>>) target(%arg6 : memref<2000x16xf32, #tpu.memory_space<vmem>>) offsets(%arg5 : memref<2000xi32, #tpu.memory_space<vmem>>) semaphore(%run_scoped3A : memref<!tpu.dma_semaphore, #tpu.memory_space<semaphore_mem>>)
        %dma_wait3A = arith.constant 0 : i32
        %dma_wait3A_17 = arith.constant 0 : i32
        %dma_wait3A_18 = tpu.memref_slice %arg2[%dma_wait3A, %dma_wait3A_17] : memref<10000x16xf32, #tpu.memory_space<hbm>> -> memref<10000x16xf32, #tpu.memory_space<hbm>>
        tpu.wait_indirect_dma semaphore(%run_scoped3A : memref<!tpu.dma_semaphore, #tpu.memory_space<semaphore_mem>>) src(%dma_wait3A_18 : memref<10000x16xf32, #tpu.memory_space<hbm>>) dst(%arg6 : memref<2000x16xf32, #tpu.memory_space<vmem>>)
        tpu.yield
      }) : () -> ()
      "tpu.region"() ({
        %run_scoped3A = tpu.sem_alloc : memref<!tpu.dma_semaphore, #tpu.memory_space<semaphore_mem>>
        %dma_start3A = arith.constant 0 : i32
        %dma_start3A_15 = tpu.memref_slice %arg4[%add3A_14, %dma_start3A] : memref<320000x16xf32, #tpu.memory_space<hbm>> -> memref<2000x16xf32, #tpu.memory_space<hbm>>
        %dma_start3A_16 = arith.constant 0 : i32
        %dma_start3A_17 = tpu.memref_slice %arg4[%add3A_14, %dma_start3A_16] : memref<320000x16xf32, #tpu.memory_space<hbm>> -> memref<2000x16xf32, #tpu.memory_space<hbm>>
        tpu.enqueue_dma source(%arg6 : memref<2000x16xf32, #tpu.memory_space<vmem>>) target(%dma_start3A_17 : memref<2000x16xf32, #tpu.memory_space<hbm>>) target_semaphore(%run_scoped3A : memref<!tpu.dma_semaphore, #tpu.memory_space<semaphore_mem>>)
        %dma_wait3A = arith.constant 0 : i32
        %dma_wait3A_18 = tpu.memref_slice %arg4[%add3A_14, %dma_wait3A] : memref<320000x16xf32, #tpu.memory_space<hbm>> -> memref<2000x16xf32, #tpu.memory_space<hbm>>
        %dma_wait3A_19 = arith.constant 0 : i32
        %dma_wait3A_20 = tpu.memref_slice %arg4[%add3A_14, %dma_wait3A_19] : memref<320000x16xf32, #tpu.memory_space<hbm>> -> memref<2000x16xf32, #tpu.memory_space<hbm>>
        tpu.wait_dma2 semaphore(%run_scoped3A : memref<!tpu.dma_semaphore, #tpu.memory_space<semaphore_mem>>) src(%arg6 : memref<2000x16xf32, #tpu.memory_space<vmem>>) dst(%dma_wait3A_20 : memref<2000x16xf32, #tpu.memory_space<hbm>>)
        tpu.yield
      }) : () -> ()
    }
    %scan3A_6 = arith.constant 5 : i32
    return
  }
}

module attributes {stable_mosaic.version = 14 : i64} {
  func.func @body(%arg0: i32, %arg1: memref<1280x128xf32, #tpu.memory_space<vmem>>, %arg2: memref<1280x1xi32, #tpu.memory_space<vmem>>, %arg3: memref<64x128xf32, #tpu.memory_space<vmem>>, %arg4: memref<1x128xf32, #tpu.memory_space<vmem>>, %arg5: memref<128x64xf32, #tpu.memory_space<vmem>>, %arg6: memref<1x64xf32, #tpu.memory_space<vmem>>, %arg7: memref<1280x16xf32, #tpu.memory_space<vmem>>) attributes {dimension_semantics = [#tpu.dimension_semantics<arbitrary>], iteration_bounds = array<i64: 250>, scalar_prefetch = 0 : i64, scratch_operands = 0 : i64, tpu.core_type = #tpu.core_type<tc>, window_params = [{transform_indices = @transform_0, window_bounds = array<i64: 1280, 128>}, {transform_indices = @transform_1, window_bounds = array<i64: 1280, 1>}, {pipeline_mode = #tpu.pipeline_mode<synchronous>, transform_indices = @transform_2, window_bounds = array<i64: 64, 128>}, {pipeline_mode = #tpu.pipeline_mode<synchronous>, transform_indices = @transform_3, window_bounds = array<i64: 1, 128>}, {pipeline_mode = #tpu.pipeline_mode<synchronous>, transform_indices = @transform_4, window_bounds = array<i64: 128, 64>}, {pipeline_mode = #tpu.pipeline_mode<synchronous>, transform_indices = @transform_5, window_bounds = array<i64: 1, 64>}, {transform_indices = @transform_6, window_bounds = array<i64: 1280, 16>}]} {
    %get3A = arith.constant 0 : index
    %get3A_0 = arith.constant 0 : index
    %get3A_1 = vector.load %arg1[%get3A, %get3A_0] : memref<1280x128xf32, #tpu.memory_space<vmem>>, vector<1280x128xf32>
    %slice3A = vector.extract_strided_slice %get3A_1 {offsets = [0, 0], sizes = [1280, 64], strides = [1, 1]} : vector<1280x128xf32> to vector<1280x64xf32>
    %exp3A = math.exp %slice3A : vector<1280x64xf32>
    %get3A_2 = arith.constant 0 : index
    %get3A_3 = arith.constant 0 : index
    %get3A_4 = vector.load %arg3[%get3A_2, %get3A_3] : memref<64x128xf32, #tpu.memory_space<vmem>>, vector<64x128xf32>
    %dot_general3A = arith.constant dense<0.000000e+00> : vector<1280x128xf32>
    %dot_general3A_5 = tpu.matmul %exp3A, %get3A_4, %dot_general3A {dimension_numbers = #tpu.dot_dimension_numbers<[1], [0], [0], [1], [0, 0, 1, 1], [], []>, transpose_lhs_hint = false} : vector<1280x64xf32>, vector<64x128xf32>, vector<1280x128xf32> -> vector<1280x128xf32>
    %get3A_6 = arith.constant 0 : index
    %get3A_7 = arith.constant 0 : index
    %get3A_8 = vector.load %arg4[%get3A_6, %get3A_7] : memref<1x128xf32, #tpu.memory_space<vmem>>, vector<1x128xf32>
    %add3A = vector.broadcast %get3A_8 : vector<1x128xf32> to vector<1280x128xf32>
    %add3A_9 = arith.addf %dot_general3A_5, %add3A : vector<1280x128xf32>
    %max3A = arith.constant 0.000000e+00 : f32
    %max3A_10 = vector.broadcast %max3A : f32 to vector<1280x128xf32>
    %max3A_11 = arith.maximumf %add3A_9, %max3A_10 : vector<1280x128xf32>
    %get3A_12 = arith.constant 0 : index
    %get3A_13 = arith.constant 0 : index
    %get3A_14 = vector.load %arg5[%get3A_12, %get3A_13] : memref<128x64xf32, #tpu.memory_space<vmem>>, vector<128x64xf32>
    %dot_general3A_15 = arith.constant dense<0.000000e+00> : vector<1280x64xf32>
    %dot_general3A_16 = tpu.matmul %max3A_11, %get3A_14, %dot_general3A_15 {dimension_numbers = #tpu.dot_dimension_numbers<[1], [0], [0], [1], [0, 0, 1, 1], [], []>, transpose_lhs_hint = false} : vector<1280x128xf32>, vector<128x64xf32>, vector<1280x64xf32> -> vector<1280x64xf32>
    %get3A_17 = arith.constant 0 : index
    %get3A_18 = arith.constant 0 : index
    %get3A_19 = vector.load %arg6[%get3A_17, %get3A_18] : memref<1x64xf32, #tpu.memory_space<vmem>>, vector<1x64xf32>
    %add3A_20 = vector.broadcast %get3A_19 : vector<1x64xf32> to vector<1280x64xf32>
    %add3A_21 = arith.addf %dot_general3A_16, %add3A_20 : vector<1280x64xf32>
    %max3A_22 = arith.constant 0.000000e+00 : f32
    %max3A_23 = vector.broadcast %max3A_22 : f32 to vector<1280x64xf32>
    %max3A_24 = arith.maximumf %add3A_21, %max3A_23 : vector<1280x64xf32>
    %add3A_25 = arith.constant 9.99999968E-20 : f32
    %add3A_26 = vector.broadcast %add3A_25 : f32 to vector<1280x64xf32>
    %add3A_27 = arith.addf %max3A_24, %add3A_26 : vector<1280x64xf32>
    %iota3A = tpu.iota {dimensions = array<i32: 0>} : vector<64x8xi32>
    %iota3A_28 = tpu.iota {dimensions = array<i32: 1>} : vector<64x8xi32>
    %jit3A = arith.constant 8 : i32
    %div3A = vector.broadcast %jit3A : i32 to vector<64x8xi32>
    %div3A_29 = arith.divsi %iota3A, %div3A : vector<64x8xi32>
    %sign3A = arith.constant 0 : i32
    %sign3A_30 = vector.broadcast %sign3A : i32 to vector<64x8xi32>
    %sign3A_31 = arith.cmpi sgt, %iota3A, %sign3A_30 : vector<64x8xi32>
    %sign3A_32 = arith.extui %sign3A_31 : vector<64x8xi1> to vector<64x8xi32>
    %sign3A_33 = arith.constant 0 : i32
    %sign3A_34 = vector.broadcast %sign3A_33 : i32 to vector<64x8xi32>
    %sign3A_35 = arith.cmpi slt, %iota3A, %sign3A_34 : vector<64x8xi32>
    %sign3A_36 = arith.extui %sign3A_35 : vector<64x8xi1> to vector<64x8xi32>
    %sign3A_37 = arith.subi %sign3A_32, %sign3A_36 : vector<64x8xi32>
    %sign3A_38 = arith.constant 0 : i32
    %sign3A_39 = arith.cmpi sgt, %jit3A, %sign3A_38 : i32
    %sign3A_40 = arith.extui %sign3A_39 : i1 to i32
    %sign3A_41 = arith.constant 0 : i32
    %sign3A_42 = arith.cmpi slt, %jit3A, %sign3A_41 : i32
    %sign3A_43 = arith.extui %sign3A_42 : i1 to i32
    %sign3A_44 = arith.subi %sign3A_40, %sign3A_43 : i32
    %ne3A = vector.broadcast %sign3A_44 : i32 to vector<64x8xi32>
    %ne3A_45 = arith.cmpi ne, %sign3A_37, %ne3A : vector<64x8xi32>
    %rem3A = vector.broadcast %jit3A : i32 to vector<64x8xi32>
    %rem3A_46 = arith.remsi %iota3A, %rem3A : vector<64x8xi32>
    %ne3A_47 = arith.constant 0 : i32
    %ne3A_48 = vector.broadcast %ne3A_47 : i32 to vector<64x8xi32>
    %ne3A_49 = arith.cmpi ne, %rem3A_46, %ne3A_48 : vector<64x8xi32>
    %and3A = arith.andi %ne3A_45, %ne3A_49 : vector<64x8xi1>
    %sub3A = arith.constant 1 : i32
    %sub3A_50 = vector.broadcast %sub3A : i32 to vector<64x8xi32>
    %sub3A_51 = arith.subi %div3A_29, %sub3A_50 : vector<64x8xi32>
    %select_n3A = arith.select %and3A, %sub3A_51, %div3A_29 : vector<64x8xi1>, vector<64x8xi32>
    %eq3A = arith.cmpi eq, %select_n3A, %iota3A_28 : vector<64x8xi32>
    %convert_element_type3A = arith.extui %eq3A : vector<64x8xi1> to vector<64x8xi32>
    %convert_element_type3A_52 = arith.sitofp %convert_element_type3A : vector<64x8xi32> to vector<64x8xf32>
    %jit3A_53 = arith.constant 8 : i32
    %eq3A_54 = arith.constant 0 : i32
    %eq3A_55 = arith.cmpi eq, %jit3A_53, %eq3A_54 : i32
    %jit3A_56 = arith.constant 1 : i32
    %select_n3A_57 = arith.select %eq3A_55, %jit3A_56, %jit3A_53 : i32
    %rem3A_58 = vector.broadcast %select_n3A_57 : i32 to vector<64x8xi32>
    %rem3A_59 = arith.remsi %iota3A, %rem3A_58 : vector<64x8xi32>
    %ne3A_60 = arith.constant 0 : i32
    %ne3A_61 = vector.broadcast %ne3A_60 : i32 to vector<64x8xi32>
    %ne3A_62 = arith.cmpi ne, %rem3A_59, %ne3A_61 : vector<64x8xi32>
    %lt3A = arith.constant 0 : i32
    %lt3A_63 = vector.broadcast %lt3A : i32 to vector<64x8xi32>
    %lt3A_64 = arith.cmpi slt, %rem3A_59, %lt3A_63 : vector<64x8xi32>
    %lt3A_65 = arith.constant 0 : i32
    %lt3A_66 = arith.cmpi slt, %select_n3A_57, %lt3A_65 : i32
    %ne3A_67 = vector.broadcast %lt3A_66 : i1 to vector<64x8xi1>
    %ne3A_68 = vector.broadcast %ne3A_67 : vector<64x8xi1> to vector<64x8xi1>
    %ne3A_69 = arith.xori %lt3A_64, %ne3A_68 : vector<64x8xi1>
    %and3A_70 = arith.andi %ne3A_69, %ne3A_62 : vector<64x8xi1>
    %add3A_71 = vector.broadcast %select_n3A_57 : i32 to vector<64x8xi32>
    %add3A_72 = arith.addi %rem3A_59, %add3A_71 : vector<64x8xi32>
    %select_n3A_73 = arith.select %and3A_70, %add3A_72, %rem3A_59 : vector<64x8xi1>, vector<64x8xi32>
    %eq3A_74 = arith.cmpi eq, %select_n3A_73, %iota3A_28 : vector<64x8xi32>
    %convert_element_type3A_75 = arith.extui %eq3A_74 : vector<64x8xi1> to vector<64x8xi32>
    %convert_element_type3A_76 = arith.sitofp %convert_element_type3A_75 : vector<64x8xi32> to vector<64x8xf32>
    %dot_general3A_77 = arith.constant dense<0.000000e+00> : vector<1280x8xf32>
    %dot_general3A_78 = tpu.matmul %add3A_27, %convert_element_type3A_52, %dot_general3A_77 {dimension_numbers = #tpu.dot_dimension_numbers<[1], [0], [0], [1], [0, 0, 1, 1], [], []>, transpose_lhs_hint = false} : vector<1280x64xf32>, vector<64x8xf32>, vector<1280x8xf32> -> vector<1280x8xf32>
    %dot_general3A_79 = arith.constant dense<0.000000e+00> : vector<1280x8xf32>
    %dot_general3A_80 = tpu.matmul %add3A_27, %convert_element_type3A_76, %dot_general3A_79 {dimension_numbers = #tpu.dot_dimension_numbers<[1], [0], [0], [1], [0, 0, 1, 1], [], []>, transpose_lhs_hint = false} : vector<1280x64xf32>, vector<64x8xf32>, vector<1280x8xf32> -> vector<1280x8xf32>
    %get3A_81 = arith.constant 0 : index
    %get3A_82 = arith.constant 0 : index
    %get3A_83 = vector.load %arg2[%get3A_81, %get3A_82] : memref<1280x1xi32, #tpu.memory_space<vmem>>, vector<1280x1xi32>
    %eq3A_84 = arith.constant 0 : i32
    %eq3A_85 = vector.broadcast %eq3A_84 : i32 to vector<1280x1xi32>
    %eq3A_86 = arith.cmpi eq, %get3A_83, %eq3A_85 : vector<1280x1xi32>
    %broadcast_in_dim3A = vector.shape_cast %eq3A_86 : vector<1280x1xi1> to vector<1280x1xi1>
    %broadcast_in_dim3A_87 = vector.broadcast %broadcast_in_dim3A : vector<1280x1xi1> to vector<1280x8xi1>
    %select_n3A_88 = arith.select %broadcast_in_dim3A_87, %dot_general3A_78, %dot_general3A_80 : vector<1280x8xi1>, vector<1280x8xf32>
    %log3A = math.log %select_n3A_88 : vector<1280x8xf32>
    %broadcast_in_dim3A_89 = vector.shape_cast %eq3A_86 : vector<1280x1xi1> to vector<1280x1xi1>
    %broadcast_in_dim3A_90 = vector.broadcast %broadcast_in_dim3A_89 : vector<1280x1xi1> to vector<1280x8xi1>
    %convert_element_type3A_91 = arith.extui %broadcast_in_dim3A_90 : vector<1280x8xi1> to vector<1280x8xi32>
    %convert_element_type3A_92 = arith.sitofp %convert_element_type3A_91 : vector<1280x8xi32> to vector<1280x8xf32>
    %concatenate3A = tpu.concatenate %log3A, %convert_element_type3A_92 in 1 : vector<1280x8xf32>, vector<1280x8xf32> -> vector<1280x16xf32>
    %swap3A = arith.constant 0 : index
    %swap3A_93 = arith.constant 0 : index
    %swap3A_94 = vector.load %arg7[%swap3A, %swap3A_93] : memref<1280x16xf32, #tpu.memory_space<vmem>>, vector<1280x16xf32>
    tpu.vector_store %arg7[%swap3A, %swap3A_93], %concatenate3A {strides = array<i32>} : memref<1280x16xf32, #tpu.memory_space<vmem>>, vector<1280x16xf32>,
    return
  }
  func.func @transform_0(%arg0: i32) -> (i32, i32) {
    %c0_i32 = arith.constant 0 : i32
    %c0_i32_0 = arith.constant 0 : i32
    return %arg0, %c0_i32 : i32, i32
  }
  func.func @transform_1(%arg0: i32) -> (i32, i32) {
    %c0_i32 = arith.constant 0 : i32
    %c0_i32_0 = arith.constant 0 : i32
    return %arg0, %c0_i32 : i32, i32
  }
  func.func @transform_2(%arg0: i32) -> (i32, i32) {
    %c0_i32 = arith.constant 0 : i32
    %c0_i32_0 = arith.constant 0 : i32
    %c0_i32_1 = arith.constant 0 : i32
    return %c0_i32, %c0_i32_0 : i32, i32
  }
  func.func @transform_3(%arg0: i32) -> (i32, i32) {
    %c0_i32 = arith.constant 0 : i32
    %c0_i32_0 = arith.constant 0 : i32
    %c0_i32_1 = arith.constant 0 : i32
    return %c0_i32, %c0_i32_0 : i32, i32
  }
  func.func @transform_4(%arg0: i32) -> (i32, i32) {
    %c0_i32 = arith.constant 0 : i32
    %c0_i32_0 = arith.constant 0 : i32
    %c0_i32_1 = arith.constant 0 : i32
    return %c0_i32, %c0_i32_0 : i32, i32
  }
  func.func @transform_5(%arg0: i32) -> (i32, i32) {
    %c0_i32 = arith.constant 0 : i32
    %c0_i32_0 = arith.constant 0 : i32
    %c0_i32_1 = arith.constant 0 : i32
    return %c0_i32, %c0_i32_0 : i32, i32
  }
  func.func @transform_6(%arg0: i32) -> (i32, i32) {
    %c0_i32 = arith.constant 0 : i32
    %c0_i32_0 = arith.constant 0 : i32
    return %arg0, %c0_i32 : i32, i32
  }
}

module attributes {stable_mosaic.version = 14 : i64} {
  func.func @body(%arg0: memref<10000x16xf32, #tpu.memory_space<vmem>>, %arg1: memref<10000x16xf32, #tpu.memory_space<vmem>>, %arg2: memref<10000x16xf32, #tpu.memory_space<vmem>>, %arg3: memref<10000x16xf32, #tpu.memory_space<vmem>>) attributes {dimension_semantics = [], scalar_prefetch = 0 : i64, scratch_operands = 0 : i64, tpu.core_type = #tpu.core_type<tc>} {
    %get3A = arith.constant 0 : index
    %get3A_0 = arith.constant 0 : index
    %get3A_1 = vector.load %arg0[%get3A, %get3A_0] : memref<10000x16xf32, #tpu.memory_space<vmem>>, vector<10000x16xf32>
    %mul3A = arith.constant 5.000000e-01 : f32
    %mul3A_2 = vector.broadcast %mul3A : f32 to vector<10000x16xf32>
    %mul3A_3 = arith.mulf %mul3A_2, %get3A_1 : vector<10000x16xf32>
    %get3A_4 = arith.constant 0 : index
    %get3A_5 = arith.constant 0 : index
    %get3A_6 = vector.load %arg1[%get3A_4, %get3A_5] : memref<10000x16xf32, #tpu.memory_space<vmem>>, vector<10000x16xf32>
    %get3A_7 = arith.constant 0 : index
    %get3A_8 = arith.constant 0 : index
    %get3A_9 = vector.load %arg2[%get3A_7, %get3A_8] : memref<10000x16xf32, #tpu.memory_space<vmem>>, vector<10000x16xf32>
    %add3A = arith.addf %get3A_6, %get3A_9 : vector<10000x16xf32>
    %mul3A_10 = arith.constant 5.000000e-01 : f32
    %mul3A_11 = vector.broadcast %mul3A_10 : f32 to vector<10000x16xf32>
    %mul3A_12 = arith.mulf %mul3A_11, %add3A : vector<10000x16xf32>
    %add3A_13 = arith.addf %mul3A_3, %mul3A_12 : vector<10000x16xf32>
    %swap3A = arith.constant 0 : index
    %swap3A_14 = arith.constant 0 : index
    %swap3A_15 = vector.load %arg3[%swap3A, %swap3A_14] : memref<10000x16xf32, #tpu.memory_space<vmem>>, vector<10000x16xf32>
    tpu.vector_store %arg3[%swap3A, %swap3A_14], %add3A_13 {strides = array<i32>} : memref<10000x16xf32, #tpu.memory_space<vmem>>, vector<10000x16xf32>,
    return
  }
}

module attributes {stable_mosaic.version = 14 : i64} {
  func.func @body(%arg0: i32, %arg1: memref<6400x16xf32, #tpu.memory_space<vmem>>, %arg2: memref<6400x16xf32, #tpu.memory_space<vmem>>, %arg3: memref<6400x16xf32, #tpu.memory_space<vmem>>) attributes {dimension_semantics = [#tpu.dimension_semantics<arbitrary>], iteration_bounds = array<i64: 50>, scalar_prefetch = 0 : i64, scratch_operands = 0 : i64, tpu.core_type = #tpu.core_type<tc>, window_params = [{transform_indices = @transform_0, window_bounds = array<i64: 6400, 16>}, {transform_indices = @transform_1, window_bounds = array<i64: 6400, 16>}, {transform_indices = @transform_2, window_bounds = array<i64: 6400, 16>}]} {
    %get3A = arith.constant 0 : index
    %get3A_0 = arith.constant 0 : index
    %get3A_1 = vector.load %arg2[%get3A, %get3A_0] : memref<6400x16xf32, #tpu.memory_space<vmem>>, vector<6400x16xf32>
    %get3A_2 = arith.constant 0 : index
    %get3A_3 = arith.constant 0 : index
    %get3A_4 = vector.load %arg1[%get3A_2, %get3A_3] : memref<6400x16xf32, #tpu.memory_space<vmem>>, vector<6400x16xf32>
    %slice3A = vector.extract_strided_slice %get3A_4 {offsets = [0, 0], sizes = [6400, 8], strides = [1, 1]} : vector<6400x16xf32> to vector<6400x8xf32>
    %slice3A_5 = vector.extract_strided_slice %get3A_1 {offsets = [0, 0], sizes = [6400, 8], strides = [1, 1]} : vector<6400x16xf32> to vector<6400x8xf32>
    %sub3A = arith.subf %slice3A, %slice3A_5 : vector<6400x8xf32>
    %slice3A_6 = vector.extract_strided_slice %get3A_1 {offsets = [0, 8], sizes = [6400, 8], strides = [1, 1]} : vector<6400x16xf32> to vector<6400x8xf32>
    %mul3A = arith.mulf %sub3A, %slice3A_6 : vector<6400x8xf32>
    %sub3A_7 = arith.subf %sub3A, %mul3A : vector<6400x8xf32>
    %concatenate3A = tpu.concatenate %mul3A, %sub3A_7 in 1 : vector<6400x8xf32>, vector<6400x8xf32> -> vector<6400x16xf32>
    %swap3A = arith.constant 0 : index
    %swap3A_8 = arith.constant 0 : index
    %swap3A_9 = vector.load %arg3[%swap3A, %swap3A_8] : memref<6400x16xf32, #tpu.memory_space<vmem>>, vector<6400x16xf32>
    tpu.vector_store %arg3[%swap3A, %swap3A_8], %concatenate3A {strides = array<i32>} : memref<6400x16xf32, #tpu.memory_space<vmem>>, vector<6400x16xf32>,
    return
  }
  func.func @transform_0(%arg0: i32) -> (i32, i32) {
    %c0_i32 = arith.constant 0 : i32
    %c0_i32_0 = arith.constant 0 : i32
    return %arg0, %c0_i32 : i32, i32
  }
  func.func @transform_1(%arg0: i32) -> (i32, i32) {
    %c0_i32 = arith.constant 0 : i32
    %c0_i32_0 = arith.constant 0 : i32
    return %arg0, %c0_i32 : i32, i32
  }
  func.func @transform_2(%arg0: i32) -> (i32, i32) {
    %c0_i32 = arith.constant 0 : i32
    %c0_i32_0 = arith.constant 0 : i32
    return %arg0, %c0_i32 : i32, i32
  }
}

module attributes {stable_mosaic.version = 14 : i64} {
  func.func @body(%arg0: i32, %arg1: memref<1280x64xf32, #tpu.memory_space<vmem>>, %arg2: memref<1280x16xf32, #tpu.memory_space<vmem>>, %arg3: memref<64x128xf32, #tpu.memory_space<vmem>>, %arg4: memref<1x128xf32, #tpu.memory_space<vmem>>, %arg5: memref<128x64xf32, #tpu.memory_space<vmem>>, %arg6: memref<1x64xf32, #tpu.memory_space<vmem>>, %arg7: memref<1280x64xf32, #tpu.memory_space<vmem>>) attributes {dimension_semantics = [#tpu.dimension_semantics<arbitrary>], iteration_bounds = array<i64: 125>, scalar_prefetch = 0 : i64, scratch_operands = 0 : i64, tpu.core_type = #tpu.core_type<tc>, window_params = [{transform_indices = @transform_0, window_bounds = array<i64: 1280, 64>}, {transform_indices = @transform_1, window_bounds = array<i64: 1280, 16>}, {pipeline_mode = #tpu.pipeline_mode<synchronous>, transform_indices = @transform_2, window_bounds = array<i64: 64, 128>}, {pipeline_mode = #tpu.pipeline_mode<synchronous>, transform_indices = @transform_3, window_bounds = array<i64: 1, 128>}, {pipeline_mode = #tpu.pipeline_mode<synchronous>, transform_indices = @transform_4, window_bounds = array<i64: 128, 64>}, {pipeline_mode = #tpu.pipeline_mode<synchronous>, transform_indices = @transform_5, window_bounds = array<i64: 1, 64>}, {transform_indices = @transform_6, window_bounds = array<i64: 1280, 64>}]} {
    %get3A = arith.constant 0 : index
    %get3A_0 = arith.constant 0 : index
    %get3A_1 = vector.load %arg2[%get3A, %get3A_0] : memref<1280x16xf32, #tpu.memory_space<vmem>>, vector<1280x16xf32>
    %iota3A = tpu.iota {dimensions = array<i32: 0>} : vector<16x64xi32>
    %iota3A_2 = tpu.iota {dimensions = array<i32: 1>} : vector<16x64xi32>
    %lt3A = arith.constant 8 : i32
    %lt3A_3 = vector.broadcast %lt3A : i32 to vector<16x64xi32>
    %lt3A_4 = arith.cmpi slt, %iota3A, %lt3A_3 : vector<16x64xi32>
    %jit3A = arith.constant 8 : i32
    %div3A = vector.broadcast %jit3A : i32 to vector<16x64xi32>
    %div3A_5 = arith.divsi %iota3A_2, %div3A : vector<16x64xi32>
    %sign3A = arith.constant 0 : i32
    %sign3A_6 = vector.broadcast %sign3A : i32 to vector<16x64xi32>
    %sign3A_7 = arith.cmpi sgt, %iota3A_2, %sign3A_6 : vector<16x64xi32>
    %sign3A_8 = arith.extui %sign3A_7 : vector<16x64xi1> to vector<16x64xi32>
    %sign3A_9 = arith.constant 0 : i32
    %sign3A_10 = vector.broadcast %sign3A_9 : i32 to vector<16x64xi32>
    %sign3A_11 = arith.cmpi slt, %iota3A_2, %sign3A_10 : vector<16x64xi32>
    %sign3A_12 = arith.extui %sign3A_11 : vector<16x64xi1> to vector<16x64xi32>
    %sign3A_13 = arith.subi %sign3A_8, %sign3A_12 : vector<16x64xi32>
    %sign3A_14 = arith.constant 0 : i32
    %sign3A_15 = arith.cmpi sgt, %jit3A, %sign3A_14 : i32
    %sign3A_16 = arith.extui %sign3A_15 : i1 to i32
    %sign3A_17 = arith.constant 0 : i32
    %sign3A_18 = arith.cmpi slt, %jit3A, %sign3A_17 : i32
    %sign3A_19 = arith.extui %sign3A_18 : i1 to i32
    %sign3A_20 = arith.subi %sign3A_16, %sign3A_19 : i32
    %ne3A = vector.broadcast %sign3A_20 : i32 to vector<16x64xi32>
    %ne3A_21 = arith.cmpi ne, %sign3A_13, %ne3A : vector<16x64xi32>
    %rem3A = vector.broadcast %jit3A : i32 to vector<16x64xi32>
    %rem3A_22 = arith.remsi %iota3A_2, %rem3A : vector<16x64xi32>
    %ne3A_23 = arith.constant 0 : i32
    %ne3A_24 = vector.broadcast %ne3A_23 : i32 to vector<16x64xi32>
    %ne3A_25 = arith.cmpi ne, %rem3A_22, %ne3A_24 : vector<16x64xi32>
    %and3A = arith.andi %ne3A_21, %ne3A_25 : vector<16x64xi1>
    %sub3A = arith.constant 1 : i32
    %sub3A_26 = vector.broadcast %sub3A : i32 to vector<16x64xi32>
    %sub3A_27 = arith.subi %div3A_5, %sub3A_26 : vector<16x64xi32>
    %select_n3A = arith.select %and3A, %sub3A_27, %div3A_5 : vector<16x64xi1>, vector<16x64xi32>
    %eq3A = arith.cmpi eq, %select_n3A, %iota3A : vector<16x64xi32>
    %convert_element_type3A = arith.extui %eq3A : vector<16x64xi1> to vector<16x64xi32>
    %convert_element_type3A_28 = arith.sitofp %convert_element_type3A : vector<16x64xi32> to vector<16x64xf32>
    %jit3A_29 = arith.constant 8 : i32
    %eq3A_30 = arith.constant 0 : i32
    %eq3A_31 = arith.cmpi eq, %jit3A_29, %eq3A_30 : i32
    %jit3A_32 = arith.constant 1 : i32
    %select_n3A_33 = arith.select %eq3A_31, %jit3A_32, %jit3A_29 : i32
    %rem3A_34 = vector.broadcast %select_n3A_33 : i32 to vector<16x64xi32>
    %rem3A_35 = arith.remsi %iota3A_2, %rem3A_34 : vector<16x64xi32>
    %ne3A_36 = arith.constant 0 : i32
    %ne3A_37 = vector.broadcast %ne3A_36 : i32 to vector<16x64xi32>
    %ne3A_38 = arith.cmpi ne, %rem3A_35, %ne3A_37 : vector<16x64xi32>
    %lt3A_39 = arith.constant 0 : i32
    %lt3A_40 = vector.broadcast %lt3A_39 : i32 to vector<16x64xi32>
    %lt3A_41 = arith.cmpi slt, %rem3A_35, %lt3A_40 : vector<16x64xi32>
    %lt3A_42 = arith.constant 0 : i32
    %lt3A_43 = arith.cmpi slt, %select_n3A_33, %lt3A_42 : i32
    %ne3A_44 = vector.broadcast %lt3A_43 : i1 to vector<16x64xi1>
    %ne3A_45 = vector.broadcast %ne3A_44 : vector<16x64xi1> to vector<16x64xi1>
    %ne3A_46 = arith.xori %lt3A_41, %ne3A_45 : vector<16x64xi1>
    %and3A_47 = arith.andi %ne3A_46, %ne3A_38 : vector<16x64xi1>
    %add3A = vector.broadcast %select_n3A_33 : i32 to vector<16x64xi32>
    %add3A_48 = arith.addi %rem3A_35, %add3A : vector<16x64xi32>
    %select_n3A_49 = arith.select %and3A_47, %add3A_48, %rem3A_35 : vector<16x64xi1>, vector<16x64xi32>
    %sub3A_50 = arith.constant 8 : i32
    %sub3A_51 = vector.broadcast %sub3A_50 : i32 to vector<16x64xi32>
    %sub3A_52 = arith.subi %iota3A, %sub3A_51 : vector<16x64xi32>
    %eq3A_53 = arith.cmpi eq, %select_n3A_49, %sub3A_52 : vector<16x64xi32>
    %convert_element_type3A_54 = arith.extui %eq3A_53 : vector<16x64xi1> to vector<16x64xi32>
    %convert_element_type3A_55 = arith.sitofp %convert_element_type3A_54 : vector<16x64xi32> to vector<16x64xf32>
    %select_n3A_56 = arith.select %lt3A_4, %convert_element_type3A_28, %convert_element_type3A_55 : vector<16x64xi1>, vector<16x64xf32>
    %get3A_57 = arith.constant 0 : index
    %get3A_58 = arith.constant 0 : index
    %get3A_59 = vector.load %arg1[%get3A_57, %get3A_58] : memref<1280x64xf32, #tpu.memory_space<vmem>>, vector<1280x64xf32>
    %dot_general3A = arith.constant dense<0.000000e+00> : vector<1280x64xf32>
    %dot_general3A_60 = tpu.matmul %get3A_1, %select_n3A_56, %dot_general3A {dimension_numbers = #tpu.dot_dimension_numbers<[1], [0], [0], [1], [0, 0, 1, 1], [], []>, transpose_lhs_hint = false} : vector<1280x16xf32>, vector<16x64xf32>, vector<1280x64xf32> -> vector<1280x64xf32>
    %add3A_61 = arith.addf %get3A_59, %dot_general3A_60 : vector<1280x64xf32>
    %exp3A = math.exp %add3A_61 : vector<1280x64xf32>
    %get3A_62 = arith.constant 0 : index
    %get3A_63 = arith.constant 0 : index
    %get3A_64 = vector.load %arg3[%get3A_62, %get3A_63] : memref<64x128xf32, #tpu.memory_space<vmem>>, vector<64x128xf32>
    %dot_general3A_65 = arith.constant dense<0.000000e+00> : vector<1280x128xf32>
    %dot_general3A_66 = tpu.matmul %exp3A, %get3A_64, %dot_general3A_65 {dimension_numbers = #tpu.dot_dimension_numbers<[1], [0], [0], [1], [0, 0, 1, 1], [], []>, transpose_lhs_hint = false} : vector<1280x64xf32>, vector<64x128xf32>, vector<1280x128xf32> -> vector<1280x128xf32>
    %get3A_67 = arith.constant 0 : index
    %get3A_68 = arith.constant 0 : index
    %get3A_69 = vector.load %arg4[%get3A_67, %get3A_68] : memref<1x128xf32, #tpu.memory_space<vmem>>, vector<1x128xf32>
    %add3A_70 = vector.broadcast %get3A_69 : vector<1x128xf32> to vector<1280x128xf32>
    %add3A_71 = arith.addf %dot_general3A_66, %add3A_70 : vector<1280x128xf32>
    %max3A = arith.constant 0.000000e+00 : f32
    %max3A_72 = vector.broadcast %max3A : f32 to vector<1280x128xf32>
    %max3A_73 = arith.maximumf %add3A_71, %max3A_72 : vector<1280x128xf32>
    %get3A_74 = arith.constant 0 : index
    %get3A_75 = arith.constant 0 : index
    %get3A_76 = vector.load %arg5[%get3A_74, %get3A_75] : memref<128x64xf32, #tpu.memory_space<vmem>>, vector<128x64xf32>
    %dot_general3A_77 = arith.constant dense<0.000000e+00> : vector<1280x64xf32>
    %dot_general3A_78 = tpu.matmul %max3A_73, %get3A_76, %dot_general3A_77 {dimension_numbers = #tpu.dot_dimension_numbers<[1], [0], [0], [1], [0, 0, 1, 1], [], []>, transpose_lhs_hint = false} : vector<1280x128xf32>, vector<128x64xf32>, vector<1280x64xf32> -> vector<1280x64xf32>
    %get3A_79 = arith.constant 0 : index
    %get3A_80 = arith.constant 0 : index
    %get3A_81 = vector.load %arg6[%get3A_79, %get3A_80] : memref<1x64xf32, #tpu.memory_space<vmem>>, vector<1x64xf32>
    %add3A_82 = vector.broadcast %get3A_81 : vector<1x64xf32> to vector<1280x64xf32>
    %add3A_83 = arith.addf %dot_general3A_78, %add3A_82 : vector<1280x64xf32>
    %max3A_84 = arith.constant 0.000000e+00 : f32
    %max3A_85 = vector.broadcast %max3A_84 : f32 to vector<1280x64xf32>
    %max3A_86 = arith.maximumf %add3A_83, %max3A_85 : vector<1280x64xf32>
    %add3A_87 = arith.constant 9.99999968E-20 : f32
    %add3A_88 = vector.broadcast %add3A_87 : f32 to vector<1280x64xf32>
    %add3A_89 = arith.addf %max3A_86, %add3A_88 : vector<1280x64xf32>
    %log3A = math.log %add3A_89 : vector<1280x64xf32>
    %swap3A = arith.constant 0 : index
    %swap3A_90 = arith.constant 0 : index
    %swap3A_91 = vector.load %arg7[%swap3A, %swap3A_90] : memref<1280x64xf32, #tpu.memory_space<vmem>>, vector<1280x64xf32>
    tpu.vector_store %arg7[%swap3A, %swap3A_90], %log3A {strides = array<i32>} : memref<1280x64xf32, #tpu.memory_space<vmem>>, vector<1280x64xf32>,
    return
  }
  func.func @transform_0(%arg0: i32) -> (i32, i32) {
    %c0_i32 = arith.constant 0 : i32
    %c0_i32_0 = arith.constant 0 : i32
    return %arg0, %c0_i32 : i32, i32
  }
  func.func @transform_1(%arg0: i32) -> (i32, i32) {
    %c0_i32 = arith.constant 0 : i32
    %c0_i32_0 = arith.constant 0 : i32
    return %arg0, %c0_i32 : i32, i32
  }
  func.func @transform_2(%arg0: i32) -> (i32, i32) {
    %c0_i32 = arith.constant 0 : i32
    %c0_i32_0 = arith.constant 0 : i32
    %c0_i32_1 = arith.constant 0 : i32
    return %c0_i32, %c0_i32_0 : i32, i32
  }
  func.func @transform_3(%arg0: i32) -> (i32, i32) {
    %c0_i32 = arith.constant 0 : i32
    %c0_i32_0 = arith.constant 0 : i32
    %c0_i32_1 = arith.constant 0 : i32
    return %c0_i32, %c0_i32_0 : i32, i32
  }
  func.func @transform_4(%arg0: i32) -> (i32, i32) {
    %c0_i32 = arith.constant 0 : i32
    %c0_i32_0 = arith.constant 0 : i32
    %c0_i32_1 = arith.constant 0 : i32
    return %c0_i32, %c0_i32_0 : i32, i32
  }
  func.func @transform_5(%arg0: i32) -> (i32, i32) {
    %c0_i32 = arith.constant 0 : i32
    %c0_i32_0 = arith.constant 0 : i32
    %c0_i32_1 = arith.constant 0 : i32
    return %c0_i32, %c0_i32_0 : i32, i32
  }
  func.func @transform_6(%arg0: i32) -> (i32, i32) {
    %c0_i32 = arith.constant 0 : i32
    %c0_i32_0 = arith.constant 0 : i32
    return %arg0, %c0_i32 : i32, i32
  }
}

</mosaic_0001>

<sc_bundles>
// kernel: kernel.10.cloned.1.call-start
scs
__scs_entry_jumppad:
0x0: {  	(pc) =	sbr.rel $0x88, $3  }
0x1: {  	(tag) =	ssettag $0x0;
	lr =	simm.s32 $0x1  }
0x2: {  	[smem:$0x3F93] =	sst lr;
	_ =	strace $0xD0000000  }
0x3: {  	_ = 	snop  }
0x4: {  	_ = 	snop  }
0x5: {  	_ = 	snop  }
0x6: {  	_ = 	snop  }
0x7: {  	_ = 	snop  }
__scs_overlays_trampoline_lowered:
0x8: {  	[smem:$0x3FA2] =	sst s0  }
0x9: {  	[smem:$0x3FA3] =	sst s1  }
0xa: {  	[smem:$0x3FA4] =	sst s2  }
0xb: {  	[smem:$0x3FA5] =	sst s3  }
0xc: {  	[smem:$0x3FA6] =	sst s4  }
0xd: {  	[smem:$0x3FA7] =	sst s5  }
0xe: {  	[smem:$0x3FA8] =	sst s6  }
0xf: {  	[smem:$0x3FA9] =	sst s7  }
0x10: {  	[smem:$0x3FAA] =	sst s8  }
0x11: {  	[smem:$0x3FAB] =	sst s9;
	s0 =	simm.s32 @!p0 $0x0  }
0x12: {  	s1 =	sld [smem:$0x3F91];
	s0 =	simm.s32 @p0 $0x1  }
0x13: {  	[smem:$0x3FAC] =	sst s0;
	s0 =	simm.s32 @!p1 $0x0  }
0x14: {  	s2 =	sld [smem:$0x3F90];
	s0 =	simm.s32 @p1 $0x1  }
0x15: {  	[smem:$0x3FAD] =	sst s0;
	s0 =	simm.s32 @!p2 $0x0  }
0x16: {  	s3 =	sld [smem:$0x3FDB];
	s0 =	simm.s32 @p2 $0x1  }
0x17: {  	s4 =	simm.s32 $0x1BF5;
	[smem:$0x3FAF] =	sst s0  }
0x18: {  	s0 =	sld [smem:$0x3F92];
	_ =	swait.ge [sflag:s4], $0x0  }
0x19: {  	s7 =	sld [smem:$0x3F93]  }
0x1a: {  	s8 =	sadd.s32 $0xFFFFE003, lr  }
0x1b: {  	s9 =	sadd.s32 $0xFFFFFEF7, lr;
	s5 =	simm.s32 $0xFFFFFFFF;
	p2 =	slt.u32 s8, $0xFFFFF086  }
0x1c: {  	p1 =	slt.u32 s9, $0xF7A;
	s5 =	simm.s32 @!p2 $0x0  }
0x1d: {  	s5 =	simm.s32 @p1 $0x1;
	p0 =	seq.s32 s7, s2  }
0x1e: {  	s7 =	smul.u32 @!p0 $0xF7A, s2;
	p2 =	seq.s32 @!p0 s5, $0x0  }
0x1f: {  	s9 =	smul.u32 $0xF7A, s1;
	s8 =	simm.s32 @!p0 $0x1BF5;
	p2 =	por !p2, p0  }
0x20: {  	[sflag:s8] =	ssyncset.s32 @!p0 $0xFFFFF086;
	s6 =	sadd.s32 @!p0 s3, s7;
	s7 =	simm.s32 @!p0 $0x108  }
0x21: {  	s3 =	sadd.s32 s3, s9;
	s6 =	sadd.s32 @!p0 $0x88, s6;
	s7 =	simm.s32 @p2 $0x1082  }
0x22: {  	[simem:s7], [sflag:s8] =	dma.local @!p0 [hbm:s6], $0xF7A  }
0x23: {  	s9 =	sor.u32 $0xD0000000, s2;
	s6 =	simm.s32 $0x108;
	_ =	swait.ge @!p0 [sflag:s8], $0x0  }
0x24: {  	s3 =	sadd.s32 $0x88, s3;
	s6 =	simm.s32 @!p1 $0x1082;
	[sflag:s4] =	ssyncset.s32 $0xFFFFF086  }
0x25: {  	[simem:s6], [sflag:s4] =	dma.local [hbm:s3], $0xF7A  }
0x26: {  	[smem:$0x3F93] =	sst s1;
	(tag) =	ssettag s2;
	_ =	strace s9  }
0x27: {  	s1 =	sld [smem:$0x3FA3]  }
0x28: {  	s2 =	sld [smem:$0x3FA4]  }
0x29: {  	s4 =	sld [smem:$0x3FA6]  }
0x2a: {  	p0 =	seq.s32 s5, $0x0;
	s5 =	sld [smem:$0x3FA7]  }
0x2b: {  	s6 =	sld [smem:$0x3FA8]  }
0x2c: {  	s7 =	sld [smem:$0x3FA9]  }
0x2d: {  	s3 =	simm.s32 $0x108;
	s8 =	sld [smem:$0x3FAA]  }
0x2e: {  	s3 =	simm.s32 @!p0 $0x1082;
	s9 =	sld [smem:$0x3FAB]  }
0x2f: {  	lr =	sadd.s32 s0, s3;
	s0 =	sld [smem:$0x3FA2]  }
0x30: {  	s3 =	sld [smem:$0x3FA5]  }
0x31: {  	[smem:$0x3FAE] =	sst s10  }
0x32: {  	s10 =	sld [smem:$0x3FAC];
	_ =	sdelay $0x3  }
0x33: {  	p0 =	seq.s32 s10, $0x1;
	s10 =	sld [smem:$0x3FAE];
	_ =	sdelay $0x3  }
0x34: {  	[smem:$0x3FAE] =	sst s10  }
0x35: {  	s10 =	sld [smem:$0x3FAD];
	_ =	sdelay $0x3  }
0x36: {  	p1 =	seq.s32 s10, $0x1;
	s10 =	sld [smem:$0x3FAE];
	_ =	sdelay $0x3  }
0x37: {  	[smem:$0x3FAE] =	sst s10  }
0x38: {  	s10 =	sld [smem:$0x3FAF]  }
0x39: {  	_ = 	snop;
	(pc) =	sbr.ind lr, $3  }
0x3a: {  	_ = 	snop  }
0x3b: {  	_ = 	snop  }
0x3c: {  	p2 =	seq.s32 s10, $0x1;
	s10 =	sld [smem:$0x3FAE]  }
0x3d: {  	_ =	shalt  }
0x3e: {  	_ =	shalt  }
0x3f: {  	_ =	shalt  }
0x40: {  	_ =	shalt  }
0x41: {  	_ =	shalt  }
0x42: {  	_ =	shalt  }
0x43: {  	_ =	shalt  }
0x44: {  	_ =	shalt  }
0x45: {  	_ =	shalt  }
0x46: {  	_ =	shalt  }
0x47: {  	_ =	shalt  }
0x48: {  	_ =	shalt  }
0x49: {  	_ =	shalt  }
0x4a: {  	_ =	shalt  }
0x4b: {  	_ =	shalt  }
0x4c: {  	_ =	shalt  }
0x4d: {  	_ =	shalt  }
0x4e: {  	_ =	shalt  }
0x4f: {  	_ =	shalt  }
0x50: {  	_ =	shalt  }
0x51: {  	_ =	shalt  }
0x52: {  	_ =	shalt  }
0x53: {  	_ =	shalt  }
0x54: {  	_ =	shalt  }
0x55: {  	_ =	shalt  }
0x56: {  	_ =	shalt  }
0x57: {  	_ =	shalt  }
0x58: {  	_ =	shalt  }
0x59: {  	_ =	shalt  }
0x5a: {  	_ =	shalt  }
0x5b: {  	_ =	shalt  }
0x5c: {  	_ =	shalt  }
0x5d: {  	_ =	shalt  }
0x5e: {  	_ =	shalt  }
0x5f: {  	_ =	shalt  }
0x60: {  	_ =	shalt  }
0x61: {  	_ =	shalt  }
0x62: {  	_ =	shalt  }
0x63: {  	_ =	shalt  }
0x64: {  	_ =	shalt  }
0x65: {  	_ =	shalt  }
0x66: {  	_ =	shalt  }
0x67: {  	_ =	shalt  }
0x68: {  	_ =	shalt  }
0x69: {  	_ =	shalt  }
0x6a: {  	_ =	shalt  }
0x6b: {  	_ =	shalt  }
0x6c: {  	_ =	shalt  }
0x6d: {  	_ =	shalt  }
0x6e: {  	_ =	shalt  }
0x6f: {  	_ =	shalt  }
0x70: {  	_ =	shalt  }
0x71: {  	_ =	shalt  }
0x72: {  	_ =	shalt  }
0x73: {  	_ =	shalt  }
0x74: {  	_ =	shalt  }
0x75: {  	_ =	shalt  }
0x76: {  	_ =	shalt  }
0x77: {  	_ =	shalt  }
0x78: {  	_ =	shalt  }
0x79: {  	_ =	shalt  }
0x7a: {  	_ =	shalt  }
0x7b: {  	_ =	shalt  }
0x7c: {  	_ =	shalt  }
0x7d: {  	_ =	shalt  }
0x7e: {  	_ =	shalt  }
0x7f: {  	_ =	shalt  }
0x80: {  	_ =	shalt  }
0x81: {  	_ =	shalt  }
0x82: {  	_ =	shalt  }
0x83: {  	_ =	shalt  }
0x84: {  	_ =	shalt  }
0x85: {  	_ =	shalt  }
0x86: {  	_ =	shalt  }
0x87: {  	_ =	shalt  }
.Lfunc_end0:
.L_simem_size_0:
called_computation.1_lowered:
.L_overlay_start_0:
0x88: {  	s2 =	sld [smem:$0x3FD9]  }
0x89: {  	s3 =	sld [smem:$0x3FFE];
	_ =	sdelay $0x1  }
0x8a: {  	s1 =	srdreg.scid  }
0x8b: {  	s0 =	sand.u32 $0x1, s1  }
0x8c: {  	s17 =	sshll.u32 s0, $0xA;
	s2 =	sadd.s32 s3, s2  }
0x8d: {  	s2 =	sadd.s32 s2, s17  }
0x8e: {  	[smem:$0x3FBA] =	sst s2  }
0x8f: {  	_ = 	snop  }
0x90: {  	s2 =	sld [smem:$0x3FC6];
	(tm) =	ssettm $0x1  }
0x91: {  	s18 =	sld [smem:$0x3FFB];
	_ =	sdelay $0x3  }
0x92: {  	_ =	strace s18  }
0x93: {  	s3 =	sld [smem:$0x3FFC];
	_ =	sdelay $0x3  }
0x94: {  	_ =	strace s3  }
0x95: {  	s3 =	sld [smem:$0x3FFD];
	_ =	sdelay $0x3  }
0x96: {  	_ =	strace s3  }
0x97: {  	_ =	strace $0x8FFFFFFF  }
0x98: {  	s19 =	sld [smem:$0x3FDB];
	_ =	sdelay $0x1  }
0x99: {  	s4 =	simm.s32 $_scs_section_size  }
0x9a: {  	s5 =	simm.s32 $_size__tile_overlayer_lowered;
	s6 =	simm.s32 $_tile_overlayer_lowered  }
0x9b: {  	s22 =	simm.s32 $0x1BFF;
	s21 =	sshll.u32 s6, $0x1;
	s3 =	sadd.s32 s4, s19  }
0x9c: {  	s7 =	simm.s32 $0x0;
	s20 =	sshll.u32 s5, $0x1;
	s5 =	sadd.s32 s21, s3  }
0x9d: {  	[timem:s7], [sflag:s22] =	dma.local [hbm:s5], s20  }
0x9e: {  	_ =	swait.ge [sflag:s22], s20  }
0x9f: {  	s4 =	ssub.s32 $0x0, s20;
	[sflag:s22] =	ssyncset.done $0x0  }
0xa0: {  	[sflag:s22] =	ssyncadd.s32 s4;
	_ =	sdelay $0x1  }
0xa1: {  	s23 =	simm.s32 $0x1B8B  }
0xa2: {  	_ =	swait.ge [sflag:s23], $0x1  }
0xa3: {  	[sflag:s23] =	ssyncset.done $0x0  }
0xa4: {  	s25 =	simm.s32 $0x1B8E;
	s24 =	sld [smem:$0x3FFE];
	[sflag:s23] =	ssyncadd.s32 $0xFFFFFFFF  }
0xa5: {  	s26 =	simm.s32 $execute0_lowered;
	[smem:$0x3FD2] =	sst s25  }
0xa6: {  	s5 =	sshll.u32 s26, $0x1;
	_ =	strace $0x80000049;
	[dreg:$0x1] =	wrdreg $0xFFFFFFFF  }
0xa7: {  	s28 =	simm.s32 $_size_execute0_lowered;
	s3 =	sadd.s32 s3, s5;
	[dreg:$0x0] =	wrdreg $0x0  }
0xa8: {  	s5 =	sshll.u32 s28, $0x1;
	[dreg:$0x2] =	wrdreg s3  }
0xa9: {  	[dreg:$0x3] =	wrdreg s5  }
0xaa: {  	[dreg:$0x4] =	wrdreg $0xC0  }
0xab: {  	_ =	task [dreg:s7], $0x5FFFF  }
0xac: {  	[dreg:$0x1] =	wrdreg $0xFFFFFFFF  }
0xad: {  	[dreg:$0x0] =	wrdreg $0x60  }
0xae: {  	[dreg:$0x2] =	wrdreg s24  }
0xaf: {  	[dreg:$0x3] =	wrdreg s2  }
0xb0: {  	[dreg:$0x4] =	wrdreg $0x9  }
0xb1: {  	_ =	task.clear_ibuf [dreg:s7], $0x5FFFF;
	_ =	strace $0x90000049  }
0xb2: {  	s29 =	simm.s32 $0x9;
	_ =	strace $0x8000004B  }
0xb3: {  	_ =	swait.ge [sflag:s29], $0x1  }
0xb4: {  	[sflag:s29] =	ssyncadd.s32 $0xFFFFFFFF  }
0xb5: {  	_ =	strace $0x9000004B  }
0xb6: {  	_ =	sfence  }
0xb7: {  	s30 =	sld [smem:$0x0];
	_ =	sdelay $0x2  }
0xb8: {  	s31 =	sshll.u32 s1, $0xD;
	s1 =	sshrl.u32 s1, $0x2  }
0xb9: {  	s3 =	sand.u32 $0x4000, s31;
	s1 =	sadd.s32 s1, s30  }
0xba: {  	s0 =	sor.u32 s3, s0;
	s1 =	sshll.u32 s1, $0x11  }
0xbb: {  	s0 =	sor.u32 s1, s0  }
0xbc: {  	s0 =	sadd.s32 $0x8F2B, s0  }
0xbd: {  	[sflag:s0] =	ssyncadd.remote.s32 $0x1  }
0xbe: {  	_ =	sfence.sel $0xFFFF  }
0xbf: {  	[dreg:$0x0] =	wrdreg $0xFFFFFFFF;
	(pc) =	sbr.abs _section_cstart, $3  }
0xc0: {  	[dreg:$0x1] =	wrdreg $0xFFFFFFFF  }
0xc1: {  	_ =	task.clear_ibuf [dreg:s7], $0x2FFFF;
	_ =	strace $0x9FFFFFFF  }
0xc2: {  	(tm) =	ssettm $0x7FFFFFFF  }
0xc3: {  	_ =	shalt  }
tec
execute0_lowered:
.L_overlay_start_1:
0x0: {  	(tag) =	ssettag $0x1  }
0x1: {  	s3 =	rddreg [dreg:$0x0]  }
0x2: {  	s6 =	rddreg [dreg:$0x1];
	s1 =	stileid.u32  }
0x3: {  	s2 =	simm.s32 $0x0;
	s5 =	srdreg.scid;
	s4 =	smul.u32 $0x4E200, s1  }
0x4: {  	[smem:$0x7FF] =	sst s2;
	s5 =	sand.u32 $0x1, s5;
	s7 =	smul.u32 $0x4E20, s1  }
0x5: {  	s0 =	rddreg [dreg:$0x2];
	_ =	strace $0x8000004A;
	s8 =	smul.u32 $0x2710, s5  }
0x6: {  	s9 =	ssub.s32 $0x2, s5;
	s5 =	smul.u32 $0x27100, s5;
	s4 =	sadd.s32 s4, s3  }
0x7: {  	s3 =	sadd.s32 $0x274400, s3;
	s31 =	sshrl.u32 s9, $0x1;
	s7 =	sadd.s32 s8, s7  }
0x8: {  	s8 =	ssub.s32 s9, s31;
	s5 =	sadd.s32 s5, s4;
	s9 =	simm.s32 $0x0  }
0x9: {  	s7 =	sshrl.u32 s7, $0x3;
	s4 =	smax.u32 s8, $0x1;
	s5 =	sadd.s32 $0x4E5400, s5  }
0xa: {  	s8 =	simm.s32 $0x3E8;
	s6 =	sadd.s32 s7, s6;
	s7 =	simm.s32 $0x1  }
.LBB2_1:
0xb: {  	s10 =	sadd.s32 $0x0, s6  }
0xc: {  	[tilespmem:s2], [sflag:$0x1] =	stream.linear.gather [hbm4b:s10+s2], $0x3E8, $0x38;
	[tilespmem:$0x1F7E8] =	vst v63  }
0xd: {  	_ =	swait.ge [sflag:s7], $0x3E8  }
0xe: {  	[sflag:s7] =	ssyncset.done $0x0  }
0xf: {  	[sflag:s7] =	ssyncadd.s32 $0xFFFFFC18  }
0x10: {  	[tilespmem:s8], [sflag:$0x1] =	stream.indirect.gather [hbm4b:s3+s8], $0x80, s2, s8, $0xb8;
	[tilespmem:$0x1F7E8] =	vst v63  }
0x11: {  	_ =	swait.ge [sflag:s7], $0x1F400  }
0x12: {  	[sflag:s7] =	ssyncset.done $0x0  }
0x13: {  	[sflag:s7] =	ssyncadd.s32 $0xFFFE0C00  }
0x14: {  	[hbm4b:s5+s2] =	stream.linear.scatter [tilespmem:s8], [sflag:$0x1], $0x1F400, $0x38;
	[tilespmem:$0x1F7E8] =	vst v63  }
0x15: {  	s11 =	simm.s32 $0x7D;
	_ =	swait.ge [sflag:s7], $0x1F400  }
0x16: {  	s12 =	simm.s32 $0xFA;
	s10 =	sadd.s32 $0x3E80, s5;
	[sflag:s7] =	ssyncset.done $0x0  }
.LBB2_2:
0x17: {  	s13 =	sadd.s32 s11, s6  }
0x18: {  	[sflag:s7] =	ssyncadd.s32 $0xFFFE0C00;
	s11 =	smov.u32 s12;
	s14 =	sadd.s32 $0x7D, s12  }
0x19: {  	[tilespmem:s2], [sflag:$0x1] =	stream.linear.gather [hbm4b:s13+s2], $0x3E8, $0x38;
	[tilespmem:$0x1F7E8] =	vst v63  }
0x1a: {  	p0 =	sne.s32 s12, $0x465;
	_ =	swait.ge [sflag:s7], $0x3E8  }
0x1b: {  	[sflag:s7] =	ssyncset.done $0x0  }
0x1c: {  	[sflag:s7] =	ssyncadd.s32 $0xFFFFFC18  }
0x1d: {  	[tilespmem:s8], [sflag:$0x1] =	stream.indirect.gather [hbm4b:s3+s8], $0x80, s2, s8, $0xb8;
	[tilespmem:$0x1F7E8] =	vst v63  }
0x1e: {  	_ =	swait.ge [sflag:s7], $0x1F400  }
.Ltmp0:
0x1f: {  	[sflag:s7] =	ssyncset.done $0x0;
	(pc) =	sbr.rel @p0 .LBB2_2-.Ltmp0, $4  }
0x20: {  	[sflag:s7] =	ssyncadd.s32 $0xFFFE0C00  }
0x21: {  	[hbm4b:s10+s2] =	stream.linear.scatter [tilespmem:s8], [sflag:$0x1], $0x1F400, $0x38;
	[tilespmem:$0x1F7E8] =	vst v63  }
0x22: {  	_ =	swait.ge [sflag:s7], $0x1F400  }
0x23: {  	s12 =	smov.u32 s14;
	s10 =	sadd.s32 $0x3E80, s10;
	[sflag:s7] =	ssyncset.done $0x0  }
0x24: {  	s11 =	sadd.s32 s11, s6;
	[sflag:s7] =	ssyncadd.s32 $0xFFFE0C00  }
0x25: {  	[tilespmem:s2], [sflag:$0x1] =	stream.linear.gather [hbm4b:s11+s2], $0x3E8, $0x38;
	[tilespmem:$0x1F7E8] =	vst v63  }
0x26: {  	_ =	swait.ge [sflag:s7], $0x3E8  }
0x27: {  	[sflag:s7] =	ssyncset.done $0x0  }
0x28: {  	[sflag:s7] =	ssyncadd.s32 $0xFFFFFC18  }
0x29: {  	[tilespmem:s8], [sflag:$0x1] =	stream.indirect.gather [hbm4b:s3+s8], $0x80, s2, s8, $0xb8;
	[tilespmem:$0x1F7E8] =	vst v63  }
0x2a: {  	s9 =	sadd.s32 $0x1, s9;
	_ =	swait.ge [sflag:s7], $0x1F400  }
0x2b: {  	p0 =	sne.s32 s9, s4;
	[sflag:s7] =	ssyncset.done $0x0  }
.Ltmp1:
0x2c: {  	[sflag:s7] =	ssyncadd.s32 $0xFFFE0C00;
	(pc) =	sbr.rel @p0 .LBB2_1-.Ltmp1, $4  }
0x2d: {  	[hbm4b:s10+s2] =	stream.linear.scatter [tilespmem:s8], [sflag:$0x1], $0x1F400, $0x38;
	[tilespmem:$0x1F7E8] =	vst v63  }
0x2e: {  	_ =	swait.ge [sflag:s7], $0x1F400  }
0x2f: {  	[sflag:s7] =	ssyncset.done $0x0  }
0x30: {  	[sflag:s7] =	ssyncadd.s32 $0xFFFE0C00  }
0x31: {  	_ =	sfence.sel $0x180000  }
0x32: {  	[bflag:$0x0] =	sbarrier.arrive $0xFFFF  }
0x33: {  	p0 =	sne.s32 s1, $0x0;
	_ =	strace $0x9000004A  }
0x34: {  	s0 =	sadd.s32 @!p0 $0x100000, s0;
	[bflag:$0x2] =	sbarrier.arrive $0xFFFF  }
0x35: {  	[sflag:s0] =	ssyncadd.tile.s32 @!p0 $0x1;
	_ =	shalt  }
.Lfunc_end2:
_tile_overlayer_lowered:
.L_overlay_start_2:
0x36: {  	(tag) =	ssettag $0x2  }
0x37: {  	s0 =	rddreg [dreg:$0x0];
	s2 =	stileid.u32  }
0x38: {  	s1 =	rddreg [dreg:$0x1];
	p0 =	sne.s32 s2, $0x0  }
0x39: {  	s3 =	rddreg [dreg:$0x2];
	[bflag:$0x3] =	sbarrier.arrive $0xFFFF;
	s2 =	simm.s32 @!p0 $0x1C01  }
0x3a: {  	[timem:s3], [sflag:s2] =	dma.local @!p0 [hbm:s0], s1  }
0x3b: {  	s0 =	simm.s32 @!p0 $0x1  }
0x3c: {  	_ =	swait.ge @!p0 [sflag:s0], s1  }
0x3d: {  	s1 =	ssub.s32 @!p0 $0x0, s1;
	[sflag:s0] =	ssyncset.done @!p0 $0x0  }
0x3e: {  	[sflag:s0] =	ssyncadd.s32 @!p0 s1  }
0x3f: {  	[bflag:$0x3] =	sbarrier.arrive $0xFFFF  }
0x40: {  	_ =	shalt  }

// kernel: kernel.13.cloned.1.call-start
scs
__scs_entry_jumppad:
0x0: {  	(pc) =	sbr.rel $0x88, $3  }
0x1: {  	(tag) =	ssettag $0x0;
	lr =	simm.s32 $0x1  }
0x2: {  	[smem:$0x3F93] =	sst lr;
	_ =	strace $0xD0000000  }
0x3: {  	_ = 	snop  }
0x4: {  	_ = 	snop  }
0x5: {  	_ = 	snop  }
0x6: {  	_ = 	snop  }
0x7: {  	_ = 	snop  }
__scs_overlays_trampoline_lowered:
0x8: {  	[smem:$0x3FA2] =	sst s0  }
0x9: {  	[smem:$0x3FA3] =	sst s1  }
0xa: {  	[smem:$0x3FA4] =	sst s2  }
0xb: {  	[smem:$0x3FA5] =	sst s3  }
0xc: {  	[smem:$0x3FA6] =	sst s4  }
0xd: {  	[smem:$0x3FA7] =	sst s5  }
0xe: {  	[smem:$0x3FA8] =	sst s6  }
0xf: {  	[smem:$0x3FA9] =	sst s7  }
0x10: {  	[smem:$0x3FAA] =	sst s8  }
0x11: {  	[smem:$0x3FAB] =	sst s9;
	s0 =	simm.s32 @!p0 $0x0  }
0x12: {  	s1 =	sld [smem:$0x3F91];
	s0 =	simm.s32 @p0 $0x1  }
0x13: {  	[smem:$0x3FAC] =	sst s0;
	s0 =	simm.s32 @!p1 $0x0  }
0x14: {  	s2 =	sld [smem:$0x3F90];
	s0 =	simm.s32 @p1 $0x1  }
0x15: {  	[smem:$0x3FAD] =	sst s0;
	s0 =	simm.s32 @!p2 $0x0  }
0x16: {  	s3 =	sld [smem:$0x3FDB];
	s0 =	simm.s32 @p2 $0x1  }
0x17: {  	s4 =	simm.s32 $0x1BF5;
	[smem:$0x3FAF] =	sst s0  }
0x18: {  	s0 =	sld [smem:$0x3F92];
	_ =	swait.ge [sflag:s4], $0x0  }
0x19: {  	s7 =	sld [smem:$0x3F93]  }
0x1a: {  	s8 =	sadd.s32 $0xFFFFE003, lr  }
0x1b: {  	s9 =	sadd.s32 $0xFFFFFEF7, lr;
	s5 =	simm.s32 $0xFFFFFFFF;
	p2 =	slt.u32 s8, $0xFFFFF086  }
0x1c: {  	p1 =	slt.u32 s9, $0xF7A;
	s5 =	simm.s32 @!p2 $0x0  }
0x1d: {  	s5 =	simm.s32 @p1 $0x1;
	p0 =	seq.s32 s7, s2  }
0x1e: {  	s7 =	smul.u32 @!p0 $0xF7A, s2;
	p2 =	seq.s32 @!p0 s5, $0x0  }
0x1f: {  	s9 =	smul.u32 $0xF7A, s1;
	s8 =	simm.s32 @!p0 $0x1BF5;
	p2 =	por !p2, p0  }
0x20: {  	[sflag:s8] =	ssyncset.s32 @!p0 $0xFFFFF086;
	s6 =	sadd.s32 @!p0 s3, s7;
	s7 =	simm.s32 @!p0 $0x108  }
0x21: {  	s3 =	sadd.s32 s3, s9;
	s6 =	sadd.s32 @!p0 $0x88, s6;
	s7 =	simm.s32 @p2 $0x1082  }
0x22: {  	[simem:s7], [sflag:s8] =	dma.local @!p0 [hbm:s6], $0xF7A  }
0x23: {  	s9 =	sor.u32 $0xD0000000, s2;
	s6 =	simm.s32 $0x108;
	_ =	swait.ge @!p0 [sflag:s8], $0x0  }
0x24: {  	s3 =	sadd.s32 $0x88, s3;
	s6 =	simm.s32 @!p1 $0x1082;
	[sflag:s4] =	ssyncset.s32 $0xFFFFF086  }
0x25: {  	[simem:s6], [sflag:s4] =	dma.local [hbm:s3], $0xF7A  }
0x26: {  	[smem:$0x3F93] =	sst s1;
	(tag) =	ssettag s2;
	_ =	strace s9  }
0x27: {  	s1 =	sld [smem:$0x3FA3]  }
0x28: {  	s2 =	sld [smem:$0x3FA4]  }
0x29: {  	s4 =	sld [smem:$0x3FA6]  }
0x2a: {  	p0 =	seq.s32 s5, $0x0;
	s5 =	sld [smem:$0x3FA7]  }
0x2b: {  	s6 =	sld [smem:$0x3FA8]  }
0x2c: {  	s7 =	sld [smem:$0x3FA9]  }
0x2d: {  	s3 =	simm.s32 $0x108;
	s8 =	sld [smem:$0x3FAA]  }
0x2e: {  	s3 =	simm.s32 @!p0 $0x1082;
	s9 =	sld [smem:$0x3FAB]  }
0x2f: {  	lr =	sadd.s32 s0, s3;
	s0 =	sld [smem:$0x3FA2]  }
0x30: {  	s3 =	sld [smem:$0x3FA5]  }
0x31: {  	[smem:$0x3FAE] =	sst s10  }
0x32: {  	s10 =	sld [smem:$0x3FAC];
	_ =	sdelay $0x3  }
0x33: {  	p0 =	seq.s32 s10, $0x1;
	s10 =	sld [smem:$0x3FAE];
	_ =	sdelay $0x3  }
0x34: {  	[smem:$0x3FAE] =	sst s10  }
0x35: {  	s10 =	sld [smem:$0x3FAD];
	_ =	sdelay $0x3  }
0x36: {  	p1 =	seq.s32 s10, $0x1;
	s10 =	sld [smem:$0x3FAE];
	_ =	sdelay $0x3  }
0x37: {  	[smem:$0x3FAE] =	sst s10  }
0x38: {  	s10 =	sld [smem:$0x3FAF]  }
0x39: {  	_ = 	snop;
	(pc) =	sbr.ind lr, $3  }
0x3a: {  	_ = 	snop  }
0x3b: {  	_ = 	snop  }
0x3c: {  	p2 =	seq.s32 s10, $0x1;
	s10 =	sld [smem:$0x3FAE]  }
0x3d: {  	_ =	shalt  }
0x3e: {  	_ =	shalt  }
0x3f: {  	_ =	shalt  }
0x40: {  	_ =	shalt  }
0x41: {  	_ =	shalt  }
0x42: {  	_ =	shalt  }
0x43: {  	_ =	shalt  }
0x44: {  	_ =	shalt  }
0x45: {  	_ =	shalt  }
0x46: {  	_ =	shalt  }
0x47: {  	_ =	shalt  }
0x48: {  	_ =	shalt  }
0x49: {  	_ =	shalt  }
0x4a: {  	_ =	shalt  }
0x4b: {  	_ =	shalt  }
0x4c: {  	_ =	shalt  }
0x4d: {  	_ =	shalt  }
0x4e: {  	_ =	shalt  }
0x4f: {  	_ =	shalt  }
0x50: {  	_ =	shalt  }
0x51: {  	_ =	shalt  }
0x52: {  	_ =	shalt  }
0x53: {  	_ =	shalt  }
0x54: {  	_ =	shalt  }
0x55: {  	_ =	shalt  }
0x56: {  	_ =	shalt  }
0x57: {  	_ =	shalt  }
0x58: {  	_ =	shalt  }
0x59: {  	_ =	shalt  }
0x5a: {  	_ =	shalt  }
0x5b: {  	_ =	shalt  }
0x5c: {  	_ =	shalt  }
0x5d: {  	_ =	shalt  }
0x5e: {  	_ =	shalt  }
0x5f: {  	_ =	shalt  }
0x60: {  	_ =	shalt  }
0x61: {  	_ =	shalt  }
0x62: {  	_ =	shalt  }
0x63: {  	_ =	shalt  }
0x64: {  	_ =	shalt  }
0x65: {  	_ =	shalt  }
0x66: {  	_ =	shalt  }
0x67: {  	_ =	shalt  }
0x68: {  	_ =	shalt  }
0x69: {  	_ =	shalt  }
0x6a: {  	_ =	shalt  }
0x6b: {  	_ =	shalt  }
0x6c: {  	_ =	shalt  }
0x6d: {  	_ =	shalt  }
0x6e: {  	_ =	shalt  }
0x6f: {  	_ =	shalt  }
0x70: {  	_ =	shalt  }
0x71: {  	_ =	shalt  }
0x72: {  	_ =	shalt  }
0x73: {  	_ =	shalt  }
0x74: {  	_ =	shalt  }
0x75: {  	_ =	shalt  }
0x76: {  	_ =	shalt  }
0x77: {  	_ =	shalt  }
0x78: {  	_ =	shalt  }
0x79: {  	_ =	shalt  }
0x7a: {  	_ =	shalt  }
0x7b: {  	_ =	shalt  }
0x7c: {  	_ =	shalt  }
0x7d: {  	_ =	shalt  }
0x7e: {  	_ =	shalt  }
0x7f: {  	_ =	shalt  }
0x80: {  	_ =	shalt  }
0x81: {  	_ =	shalt  }
0x82: {  	_ =	shalt  }
0x83: {  	_ =	shalt  }
0x84: {  	_ =	shalt  }
0x85: {  	_ =	shalt  }
0x86: {  	_ =	shalt  }
0x87: {  	_ =	shalt  }
.Lfunc_end0:
.L_simem_size_0:
called_computation.2_lowered:
.L_overlay_start_0:
0x88: {  	s2 =	sld [smem:$0x3FD9]  }
0x89: {  	s3 =	sld [smem:$0x3FFE];
	_ =	sdelay $0x1  }
0x8a: {  	s1 =	srdreg.scid  }
0x8b: {  	s0 =	sand.u32 $0x1, s1  }
0x8c: {  	s14 =	sshll.u32 s0, $0xA;
	s2 =	sadd.s32 s3, s2  }
0x8d: {  	s2 =	sadd.s32 s2, s14  }
0x8e: {  	[smem:$0x3FBA] =	sst s2  }
0x8f: {  	_ = 	snop  }
0x90: {  	s2 =	sld [smem:$0x3FD0];
	_ =	sdelay $0x2  }
0x91: {  	s4 =	simm.s32 $0xA;
	s5 =	simm.s32 $0x10;
	s15 =	sld [smem:$0x3FC5]  }
0x92: {  	[smem:s5], [sflag:s4] =	dma.local [hbm:s2], $0x1  }
0x93: {  	_ =	swait.eq [sflag:s4], $0x1  }
0x94: {  	[sflag:s4] =	ssyncset.done $0x0  }
0x95: {  	[sflag:s4] =	ssyncadd.s32 $0xFFFFFFFF  }
0x96: {  	s16 =	sld [smem:$0x11];
	(tm) =	ssettm $0x1  }
0x97: {  	s17 =	sld [smem:$0x3FFB];
	_ =	sdelay $0x3  }
0x98: {  	_ =	strace s17  }
0x99: {  	s4 =	sld [smem:$0x3FFC];
	_ =	sdelay $0x3  }
0x9a: {  	_ =	strace s4  }
0x9b: {  	s4 =	sld [smem:$0x3FFD];
	_ =	sdelay $0x3  }
0x9c: {  	_ =	strace s4  }
0x9d: {  	_ =	strace $0x8FFFFFFF  }
0x9e: {  	s18 =	sld [smem:$0x3FDB];
	_ =	sdelay $0x1  }
0x9f: {  	s19 =	simm.s32 $_scs_section_size  }
0xa0: {  	s6 =	simm.s32 $_size__tile_overlayer_lowered;
	s7 =	simm.s32 $_tile_overlayer_lowered  }
0xa1: {  	s22 =	simm.s32 $0x1BFF;
	s21 =	sshll.u32 s7, $0x1;
	s4 =	sadd.s32 s19, s18  }
0xa2: {  	s8 =	simm.s32 $0x0;
	s20 =	sshll.u32 s6, $0x1;
	s6 =	sadd.s32 s21, s4  }
0xa3: {  	[timem:s8], [sflag:s22] =	dma.local [hbm:s6], s20  }
0xa4: {  	_ =	swait.ge [sflag:s22], s20  }
0xa5: {  	s5 =	ssub.s32 $0x0, s20;
	[sflag:s22] =	ssyncset.done $0x0  }
0xa6: {  	[sflag:s22] =	ssyncadd.s32 s5;
	_ =	sdelay $0x1  }
0xa7: {  	s23 =	simm.s32 $0x1B8B  }
0xa8: {  	_ =	swait.ge [sflag:s23], $0x1  }
0xa9: {  	[sflag:s23] =	ssyncset.done $0x0  }
0xaa: {  	s25 =	simm.s32 $0x1B8E;
	s24 =	sld [smem:$0x3FFE];
	[sflag:s23] =	ssyncadd.s32 $0xFFFFFFFF  }
0xab: {  	s26 =	simm.s32 $execute0_lowered;
	[smem:$0x3FD2] =	sst s25  }
0xac: {  	s6 =	sshll.u32 s26, $0x1;
	_ =	strace $0x8000004C;
	[dreg:$0x1] =	wrdreg $0xFFFFFFFF  }
0xad: {  	s28 =	simm.s32 $_size_execute0_lowered;
	s4 =	sadd.s32 s4, s6;
	[dreg:$0x0] =	wrdreg $0x0  }
0xae: {  	s6 =	sshll.u32 s28, $0x1;
	[dreg:$0x2] =	wrdreg s4  }
0xaf: {  	[dreg:$0x3] =	wrdreg s6  }
0xb0: {  	[dreg:$0x4] =	wrdreg $0xC0  }
0xb1: {  	_ =	task [dreg:s8], $0x5FFFF  }
0xb2: {  	[dreg:$0x1] =	wrdreg $0xFFFFFFFF  }
0xb3: {  	[dreg:$0x0] =	wrdreg $0x60  }
0xb4: {  	[dreg:$0x2] =	wrdreg s16  }
0xb5: {  	[dreg:$0x3] =	wrdreg s15  }
0xb6: {  	[dreg:$0x4] =	wrdreg s24  }
0xb7: {  	[dreg:$0x5] =	wrdreg $0x42680  }
0xb8: {  	[dreg:$0x6] =	wrdreg $0x9  }
0xb9: {  	_ =	task.clear_ibuf [dreg:s8], $0x7FFFF;
	_ =	strace $0x9000004C  }
0xba: {  	s29 =	simm.s32 $0x9;
	_ =	strace $0x8000004E  }
0xbb: {  	_ =	swait.ge [sflag:s29], $0x1  }
0xbc: {  	[sflag:s29] =	ssyncadd.s32 $0xFFFFFFFF  }
0xbd: {  	_ =	strace $0x9000004E  }
0xbe: {  	_ =	sfence  }
0xbf: {  	s30 =	sld [smem:$0x0];
	_ =	sdelay $0x2  }
0xc0: {  	s31 =	sshll.u32 s1, $0xD;
	s1 =	sshrl.u32 s1, $0x2  }
0xc1: {  	s3 =	sand.u32 $0x4000, s31;
	s1 =	sadd.s32 s1, s30  }
0xc2: {  	s0 =	sor.u32 s3, s0;
	s1 =	sshll.u32 s1, $0x11  }
0xc3: {  	s0 =	sor.u32 s1, s0  }
0xc4: {  	s0 =	sadd.s32 $0x8F2B, s0  }
0xc5: {  	[sflag:s0] =	ssyncadd.remote.s32 $0x1  }
0xc6: {  	_ =	sfence.sel $0xFFFF  }
0xc7: {  	[dreg:$0x0] =	wrdreg $0xFFFFFFFF;
	(pc) =	sbr.abs _section_cstart, $3  }
0xc8: {  	[dreg:$0x1] =	wrdreg $0xFFFFFFFF  }
0xc9: {  	_ =	task.clear_ibuf [dreg:s8], $0x2FFFF;
	_ =	strace $0x9FFFFFFF  }
0xca: {  	(tm) =	ssettm $0x7FFFFFFF  }
0xcb: {  	_ =	shalt  }
tec
execute0_lowered:
.L_overlay_start_1:
0x0: {  	(tag) =	ssettag $0x1  }
0x1: {  	s5 =	rddreg [dreg:$0x0]  }
0x2: {  	s6 =	rddreg [dreg:$0x1]  }
0x3: {  	s4 =	rddreg [dreg:$0x2]  }
0x4: {  	s1 =	rddreg [dreg:$0x3];
	s3 =	srdreg.scid  }
0x5: {  	s0 =	rddreg [dreg:$0x4];
	s11 =	stileid.u32  }
0x6: {  	s2 =	simm.s32 $0x0;
	s7 =	sand.u32 $0x1, s3;
	s12 =	smul.u32 $0x2710, s11  }
0x7: {  	[smem:$0x7FF] =	sst s2;
	s3 =	sadd.s32 $0x4E5400, s4;
	s13 =	smul.u32 $0x4E20, s11  }
0x8: {  	p0 =	sne.s32 s11, $0x0;
	p1 =	sgt.u32 s11, $0x7;
	s8 =	smul.u32 $0x27100, s7  }
0x9: {  	_ =	strace $0x8000004D;
	s10 =	ssub.s32 $0x2, s7;
	s7 =	smul.u32 $0x4E200, s7  }
0xa: {  	s11 =	sshll.u32 @!p1 s11, $0x6;
	s30 =	sshrl.u32 s10, $0x1;
	s14 =	sshrl.u32 s13, $0x3  }
0xb: {  	s15 =	sadd.s32 s13, s1;
	s11 =	sor.u32 @!p1 $0x1C01, s11;
	s9 =	sshrl.u32 s8, $0x3  }
0xc: {  	s8 =	sadd.s32 s12, s8;
	s5 =	sadd.s32 s7, s5;
	s7 =	sshrl.u32 @!p0 s1, $0x3  }
0xd: {  	s12 =	sshrl.u32 @!p1 s15, $0x3;
	s4 =	sadd.s32 s9, s4;
	s9 =	ssub.s32 s10, s30  }
0xe: {  	s31 =	sshrl.u32 s8, $0x3;
	s5 =	sadd.s32 s13, s5;
	s8 =	simm.s32 $0x1  }
0xf: {  	s13 =	simm.s32 $0x0;
	s10 =	sadd.s32 $0x50C600, s4;
	s4 =	smax.u32 s9, $0x1  }
0x10: {  	s6 =	sadd.s32 s31, s6;
	s9 =	simm.s32 $0x3E8;
	s10 =	sadd.s32 @!p1 s14, s10  }
.LBB2_1:
0x11: {  	s14 =	simm.s32 @!p0 $0x1C01  }
0x12: {  	[spmem:s7], [sflag:s14] =	dma.local @!p0 [hbm:s3], $0x4E20  }
0x13: {  	s14 =	simm.s32 @!p0 $0x1  }
0x14: {  	_ =	swait.ge @!p0 [sflag:s14], $0x4E20  }
0x15: {  	[sflag:s14] =	ssyncset.done @!p0 $0x0  }
0x16: {  	[sflag:s14] =	ssyncadd.s32 @!p0 $0xFFFFB1E0  }
0x17: {  	s31 =	sadd.s32 $0x0, s6;
	[bflag:$0x0] =	sbarrier.arrive $0xFFFF  }
0x18: {  	[tilespmem:s2], [sflag:$0x1] =	stream.linear.gather [hbm4b:s31+s2], $0x3E8, $0x38;
	[tilespmem:$0x6978] =	vst v63  }
0x19: {  	_ =	swait.ge [sflag:s8], $0x3E8  }
0x1a: {  	[sflag:s8] =	ssyncset.done $0x0  }
0x1b: {  	[sflag:s8] =	ssyncadd.s32 $0xFFFFFC18  }
0x1c: {  	[tilespmem:s9], [sflag:$0x1] =	stream.linear.gather [hbm4b:s5+s2], $0x3E80, $0x38;
	[tilespmem:$0x6978] =	vst v63  }
0x1d: {  	_ =	swait.ge [sflag:s8], $0x3E80  }
0x1e: {  	[sflag:s8] =	ssyncset.done $0x0  }
0x1f: {  	[sflag:s8] =	ssyncadd.s32 $0xFFFFC180  }
0x20: {  	[spmem:s1] =	stream.indirect.scatter.add.f32 [tilespmem:s9], [sflag:$0x1], $0x10, s2, s9, $0xb8;
	[tilespmem:$0x6978] =	vst v63  }
0x21: {  	s15 =	simm.s32 $0x7D;
	_ =	swait.ge [sflag:s8], $0x3E80  }
0x22: {  	s16 =	simm.s32 $0xFA;
	s14 =	sadd.s32 $0x7D0, s5;
	[sflag:s8] =	ssyncset.done $0x0  }
.LBB2_2:
0x23: {  	s17 =	sadd.s32 s15, s6  }
0x24: {  	[sflag:s8] =	ssyncadd.s32 $0xFFFFC180;
	s15 =	smov.u32 s16;
	s18 =	sadd.s32 $0x7D, s16  }
0x25: {  	[tilespmem:s2], [sflag:$0x1] =	stream.linear.gather [hbm4b:s17+s2], $0x3E8, $0x38;
	[tilespmem:$0x6978] =	vst v63  }
0x26: {  	p2 =	sne.s32 s16, $0x465;
	_ =	swait.ge [sflag:s8], $0x3E8  }
0x27: {  	[sflag:s8] =	ssyncset.done $0x0  }
0x28: {  	[sflag:s8] =	ssyncadd.s32 $0xFFFFFC18  }
0x29: {  	[tilespmem:s9], [sflag:$0x1] =	stream.linear.gather [hbm4b:s14+s2], $0x3E80, $0x38;
	[tilespmem:$0x6978] =	vst v63  }
0x2a: {  	_ =	swait.ge [sflag:s8], $0x3E80  }
.Ltmp0:
0x2b: {  	[sflag:s8] =	ssyncset.done $0x0;
	(pc) =	sbr.rel @p2 .LBB2_2-.Ltmp0, $4  }
0x2c: {  	[sflag:s8] =	ssyncadd.s32 $0xFFFFC180  }
0x2d: {  	[spmem:s1] =	stream.indirect.scatter.add.f32 [tilespmem:s9], [sflag:$0x1], $0x10, s2, s9, $0xb8;
	[tilespmem:$0x6978] =	vst v63  }
0x2e: {  	_ =	swait.ge [sflag:s8], $0x3E80  }
0x2f: {  	s16 =	smov.u32 s18;
	s14 =	sadd.s32 $0x7D0, s14;
	[sflag:s8] =	ssyncset.done $0x0  }
0x30: {  	s15 =	sadd.s32 s15, s6;
	[sflag:s8] =	ssyncadd.s32 $0xFFFFC180  }
0x31: {  	[tilespmem:s2], [sflag:$0x1] =	stream.linear.gather [hbm4b:s15+s2], $0x3E8, $0x38;
	[tilespmem:$0x6978] =	vst v63  }
0x32: {  	_ =	swait.ge [sflag:s8], $0x3E8  }
0x33: {  	[sflag:s8] =	ssyncset.done $0x0  }
0x34: {  	[sflag:s8] =	ssyncadd.s32 $0xFFFFFC18  }
0x35: {  	[tilespmem:s9], [sflag:$0x1] =	stream.linear.gather [hbm4b:s14+s2], $0x3E80, $0x38;
	[tilespmem:$0x6978] =	vst v63  }
0x36: {  	_ =	swait.ge [sflag:s8], $0x3E80  }
0x37: {  	[sflag:s8] =	ssyncset.done $0x0  }
0x38: {  	[sflag:s8] =	ssyncadd.s32 $0xFFFFC180  }
0x39: {  	[spmem:s1] =	stream.indirect.scatter.add.f32 [tilespmem:s9], [sflag:$0x1], $0x10, s2, s9, $0xb8;
	[tilespmem:$0x6978] =	vst v63  }
0x3a: {  	_ =	swait.ge [sflag:s8], $0x3E80  }
0x3b: {  	s13 =	sadd.s32 $0x1, s13;
	[sflag:s8] =	ssyncset.done $0x0  }
0x3c: {  	p2 =	sne.s32 s13, s4;
	[sflag:s8] =	ssyncadd.s32 $0xFFFFC180  }
.Ltmp1:
0x3d: {  	s14 =	simm.s32 @!p1 $0x1;
	[bflag:$0x0] =	sbarrier.arrive $0xFFFF;
	(pc) =	sbr.rel @p2 .LBB2_1-.Ltmp1, $4  }
0x3e: {  	[hbm:s10], [sflag:s11] =	dma.local @!p1 [spmem:s12], $0x9C4  }
0x3f: {  	_ =	swait.ge @!p1 [sflag:s14], $0x9C4  }
0x40: {  	[sflag:s14] =	ssyncset.done @!p1 $0x0  }
0x41: {  	[sflag:s14] =	ssyncadd.s32 @!p1 $0xFFFFF63C  }
0x42: {  	_ =	sfence.sel $0x180000  }
0x43: {  	[bflag:$0x0] =	sbarrier.arrive $0xFFFF  }
0x44: {  	_ =	strace $0x9000004D  }
0x45: {  	s0 =	sadd.s32 @!p0 $0x100000, s0;
	[bflag:$0x2] =	sbarrier.arrive $0xFFFF  }
0x46: {  	[sflag:s0] =	ssyncadd.tile.s32 @!p0 $0x1;
	_ =	shalt  }
.Lfunc_end2:
_tile_overlayer_lowered:
.L_overlay_start_2:
0x47: {  	(tag) =	ssettag $0x2  }
0x48: {  	s0 =	rddreg [dreg:$0x0];
	s2 =	stileid.u32  }
0x49: {  	s1 =	rddreg [dreg:$0x1];
	p0 =	sne.s32 s2, $0x0  }
0x4a: {  	s3 =	rddreg [dreg:$0x2];
	[bflag:$0x3] =	sbarrier.arrive $0xFFFF;
	s2 =	simm.s32 @!p0 $0x1C01  }
0x4b: {  	[timem:s3], [sflag:s2] =	dma.local @!p0 [hbm:s0], s1  }
0x4c: {  	s0 =	simm.s32 @!p0 $0x1  }
0x4d: {  	_ =	swait.ge @!p0 [sflag:s0], s1  }
0x4e: {  	s1 =	ssub.s32 @!p0 $0x0, s1;
	[sflag:s0] =	ssyncset.done @!p0 $0x0  }
0x4f: {  	[sflag:s0] =	ssyncadd.s32 @!p0 s1  }
0x50: {  	[bflag:$0x3] =	sbarrier.arrive $0xFFFF  }
0x51: {  	_ =	shalt  }

// kernel: kernel.16.cloned.1.call-start
scs
__scs_entry_jumppad:
0x0: {  	(pc) =	sbr.rel $0x88, $3  }
0x1: {  	(tag) =	ssettag $0x0;
	lr =	simm.s32 $0x1  }
0x2: {  	[smem:$0x3F93] =	sst lr;
	_ =	strace $0xD0000000  }
0x3: {  	_ = 	snop  }
0x4: {  	_ = 	snop  }
0x5: {  	_ = 	snop  }
0x6: {  	_ = 	snop  }
0x7: {  	_ = 	snop  }
__scs_overlays_trampoline_lowered:
0x8: {  	[smem:$0x3FA2] =	sst s0  }
0x9: {  	[smem:$0x3FA3] =	sst s1  }
0xa: {  	[smem:$0x3FA4] =	sst s2  }
0xb: {  	[smem:$0x3FA5] =	sst s3  }
0xc: {  	[smem:$0x3FA6] =	sst s4  }
0xd: {  	[smem:$0x3FA7] =	sst s5  }
0xe: {  	[smem:$0x3FA8] =	sst s6  }
0xf: {  	[smem:$0x3FA9] =	sst s7  }
0x10: {  	[smem:$0x3FAA] =	sst s8  }
0x11: {  	[smem:$0x3FAB] =	sst s9;
	s0 =	simm.s32 @!p0 $0x0  }
0x12: {  	s1 =	sld [smem:$0x3F91];
	s0 =	simm.s32 @p0 $0x1  }
0x13: {  	[smem:$0x3FAC] =	sst s0;
	s0 =	simm.s32 @!p1 $0x0  }
0x14: {  	s2 =	sld [smem:$0x3F90];
	s0 =	simm.s32 @p1 $0x1  }
0x15: {  	[smem:$0x3FAD] =	sst s0;
	s0 =	simm.s32 @!p2 $0x0  }
0x16: {  	s3 =	sld [smem:$0x3FDB];
	s0 =	simm.s32 @p2 $0x1  }
0x17: {  	s4 =	simm.s32 $0x1BF5;
	[smem:$0x3FAF] =	sst s0  }
0x18: {  	s0 =	sld [smem:$0x3F92];
	_ =	swait.ge [sflag:s4], $0x0  }
0x19: {  	s7 =	sld [smem:$0x3F93]  }
0x1a: {  	s8 =	sadd.s32 $0xFFFFE003, lr  }
0x1b: {  	s9 =	sadd.s32 $0xFFFFFEF7, lr;
	s5 =	simm.s32 $0xFFFFFFFF;
	p2 =	slt.u32 s8, $0xFFFFF086  }
0x1c: {  	p1 =	slt.u32 s9, $0xF7A;
	s5 =	simm.s32 @!p2 $0x0  }
0x1d: {  	s5 =	simm.s32 @p1 $0x1;
	p0 =	seq.s32 s7, s2  }
0x1e: {  	s7 =	smul.u32 @!p0 $0xF7A, s2;
	p2 =	seq.s32 @!p0 s5, $0x0  }
0x1f: {  	s9 =	smul.u32 $0xF7A, s1;
	s8 =	simm.s32 @!p0 $0x1BF5;
	p2 =	por !p2, p0  }
0x20: {  	[sflag:s8] =	ssyncset.s32 @!p0 $0xFFFFF086;
	s6 =	sadd.s32 @!p0 s3, s7;
	s7 =	simm.s32 @!p0 $0x108  }
0x21: {  	s3 =	sadd.s32 s3, s9;
	s6 =	sadd.s32 @!p0 $0x88, s6;
	s7 =	simm.s32 @p2 $0x1082  }
0x22: {  	[simem:s7], [sflag:s8] =	dma.local @!p0 [hbm:s6], $0xF7A  }
0x23: {  	s9 =	sor.u32 $0xD0000000, s2;
	s6 =	simm.s32 $0x108;
	_ =	swait.ge @!p0 [sflag:s8], $0x0  }
0x24: {  	s3 =	sadd.s32 $0x88, s3;
	s6 =	simm.s32 @!p1 $0x1082;
	[sflag:s4] =	ssyncset.s32 $0xFFFFF086  }
0x25: {  	[simem:s6], [sflag:s4] =	dma.local [hbm:s3], $0xF7A  }
0x26: {  	[smem:$0x3F93] =	sst s1;
	(tag) =	ssettag s2;
	_ =	strace s9  }
0x27: {  	s1 =	sld [smem:$0x3FA3]  }
0x28: {  	s2 =	sld [smem:$0x3FA4]  }
0x29: {  	s4 =	sld [smem:$0x3FA6]  }
0x2a: {  	p0 =	seq.s32 s5, $0x0;
	s5 =	sld [smem:$0x3FA7]  }
0x2b: {  	s6 =	sld [smem:$0x3FA8]  }
0x2c: {  	s7 =	sld [smem:$0x3FA9]  }
0x2d: {  	s3 =	simm.s32 $0x108;
	s8 =	sld [smem:$0x3FAA]  }
0x2e: {  	s3 =	simm.s32 @!p0 $0x1082;
	s9 =	sld [smem:$0x3FAB]  }
0x2f: {  	lr =	sadd.s32 s0, s3;
	s0 =	sld [smem:$0x3FA2]  }
0x30: {  	s3 =	sld [smem:$0x3FA5]  }
0x31: {  	[smem:$0x3FAE] =	sst s10  }
0x32: {  	s10 =	sld [smem:$0x3FAC];
	_ =	sdelay $0x3  }
0x33: {  	p0 =	seq.s32 s10, $0x1;
	s10 =	sld [smem:$0x3FAE];
	_ =	sdelay $0x3  }
0x34: {  	[smem:$0x3FAE] =	sst s10  }
0x35: {  	s10 =	sld [smem:$0x3FAD];
	_ =	sdelay $0x3  }
0x36: {  	p1 =	seq.s32 s10, $0x1;
	s10 =	sld [smem:$0x3FAE];
	_ =	sdelay $0x3  }
0x37: {  	[smem:$0x3FAE] =	sst s10  }
0x38: {  	s10 =	sld [smem:$0x3FAF]  }
0x39: {  	_ = 	snop;
	(pc) =	sbr.ind lr, $3  }
0x3a: {  	_ = 	snop  }
0x3b: {  	_ = 	snop  }
0x3c: {  	p2 =	seq.s32 s10, $0x1;
	s10 =	sld [smem:$0x3FAE]  }
0x3d: {  	_ =	shalt  }
0x3e: {  	_ =	shalt  }
0x3f: {  	_ =	shalt  }
0x40: {  	_ =	shalt  }
0x41: {  	_ =	shalt  }
0x42: {  	_ =	shalt  }
0x43: {  	_ =	shalt  }
0x44: {  	_ =	shalt  }
0x45: {  	_ =	shalt  }
0x46: {  	_ =	shalt  }
0x47: {  	_ =	shalt  }
0x48: {  	_ =	shalt  }
0x49: {  	_ =	shalt  }
0x4a: {  	_ =	shalt  }
0x4b: {  	_ =	shalt  }
0x4c: {  	_ =	shalt  }
0x4d: {  	_ =	shalt  }
0x4e: {  	_ =	shalt  }
0x4f: {  	_ =	shalt  }
0x50: {  	_ =	shalt  }
0x51: {  	_ =	shalt  }
0x52: {  	_ =	shalt  }
0x53: {  	_ =	shalt  }
0x54: {  	_ =	shalt  }
0x55: {  	_ =	shalt  }
0x56: {  	_ =	shalt  }
0x57: {  	_ =	shalt  }
0x58: {  	_ =	shalt  }
0x59: {  	_ =	shalt  }
0x5a: {  	_ =	shalt  }
0x5b: {  	_ =	shalt  }
0x5c: {  	_ =	shalt  }
0x5d: {  	_ =	shalt  }
0x5e: {  	_ =	shalt  }
0x5f: {  	_ =	shalt  }
0x60: {  	_ =	shalt  }
0x61: {  	_ =	shalt  }
0x62: {  	_ =	shalt  }
0x63: {  	_ =	shalt  }
0x64: {  	_ =	shalt  }
0x65: {  	_ =	shalt  }
0x66: {  	_ =	shalt  }
0x67: {  	_ =	shalt  }
0x68: {  	_ =	shalt  }
0x69: {  	_ =	shalt  }
0x6a: {  	_ =	shalt  }
0x6b: {  	_ =	shalt  }
0x6c: {  	_ =	shalt  }
0x6d: {  	_ =	shalt  }
0x6e: {  	_ =	shalt  }
0x6f: {  	_ =	shalt  }
0x70: {  	_ =	shalt  }
0x71: {  	_ =	shalt  }
0x72: {  	_ =	shalt  }
0x73: {  	_ =	shalt  }
0x74: {  	_ =	shalt  }
0x75: {  	_ =	shalt  }
0x76: {  	_ =	shalt  }
0x77: {  	_ =	shalt  }
0x78: {  	_ =	shalt  }
0x79: {  	_ =	shalt  }
0x7a: {  	_ =	shalt  }
0x7b: {  	_ =	shalt  }
0x7c: {  	_ =	shalt  }
0x7d: {  	_ =	shalt  }
0x7e: {  	_ =	shalt  }
0x7f: {  	_ =	shalt  }
0x80: {  	_ =	shalt  }
0x81: {  	_ =	shalt  }
0x82: {  	_ =	shalt  }
0x83: {  	_ =	shalt  }
0x84: {  	_ =	shalt  }
0x85: {  	_ =	shalt  }
0x86: {  	_ =	shalt  }
0x87: {  	_ =	shalt  }
.Lfunc_end0:
.L_simem_size_0:
called_computation.3_lowered:
.L_overlay_start_0:
0x88: {  	s2 =	sld [smem:$0x3FD9]  }
0x89: {  	s3 =	sld [smem:$0x3FFE];
	_ =	sdelay $0x1  }
0x8a: {  	s1 =	srdreg.scid  }
0x8b: {  	s0 =	sand.u32 $0x1, s1  }
0x8c: {  	s14 =	sshll.u32 s0, $0xA;
	s2 =	sadd.s32 s3, s2  }
0x8d: {  	s2 =	sadd.s32 s2, s14  }
0x8e: {  	[smem:$0x3FBA] =	sst s2  }
0x8f: {  	_ = 	snop  }
0x90: {  	s2 =	sld [smem:$0x3FD0];
	_ =	sdelay $0x2  }
0x91: {  	s4 =	simm.s32 $0xA;
	s5 =	simm.s32 $0x10;
	s15 =	sld [smem:$0x3FC5]  }
0x92: {  	[smem:s5], [sflag:s4] =	dma.local [hbm:s2], $0x1  }
0x93: {  	_ =	swait.eq [sflag:s4], $0x1  }
0x94: {  	[sflag:s4] =	ssyncset.done $0x0  }
0x95: {  	[sflag:s4] =	ssyncadd.s32 $0xFFFFFFFF  }
0x96: {  	s16 =	sld [smem:$0x11];
	(tm) =	ssettm $0x1  }
0x97: {  	s17 =	sld [smem:$0x3FFB];
	_ =	sdelay $0x3  }
0x98: {  	_ =	strace s17  }
0x99: {  	s4 =	sld [smem:$0x3FFC];
	_ =	sdelay $0x3  }
0x9a: {  	_ =	strace s4  }
0x9b: {  	s4 =	sld [smem:$0x3FFD];
	_ =	sdelay $0x3  }
0x9c: {  	_ =	strace s4  }
0x9d: {  	_ =	strace $0x8FFFFFFF  }
0x9e: {  	s18 =	sld [smem:$0x3FDB];
	_ =	sdelay $0x1  }
0x9f: {  	s19 =	simm.s32 $_scs_section_size  }
0xa0: {  	s6 =	simm.s32 $_size__tile_overlayer_lowered;
	s7 =	simm.s32 $_tile_overlayer_lowered  }
0xa1: {  	s22 =	simm.s32 $0x1BFF;
	s21 =	sshll.u32 s7, $0x1;
	s4 =	sadd.s32 s19, s18  }
0xa2: {  	s8 =	simm.s32 $0x0;
	s20 =	sshll.u32 s6, $0x1;
	s6 =	sadd.s32 s21, s4  }
0xa3: {  	[timem:s8], [sflag:s22] =	dma.local [hbm:s6], s20  }
0xa4: {  	_ =	swait.ge [sflag:s22], s20  }
0xa5: {  	s5 =	ssub.s32 $0x0, s20;
	[sflag:s22] =	ssyncset.done $0x0  }
0xa6: {  	[sflag:s22] =	ssyncadd.s32 s5;
	_ =	sdelay $0x1  }
0xa7: {  	s23 =	simm.s32 $0x1B8B  }
0xa8: {  	_ =	swait.ge [sflag:s23], $0x1  }
0xa9: {  	[sflag:s23] =	ssyncset.done $0x0  }
0xaa: {  	s25 =	simm.s32 $0x1B8E;
	s24 =	sld [smem:$0x3FFE];
	[sflag:s23] =	ssyncadd.s32 $0xFFFFFFFF  }
0xab: {  	s26 =	simm.s32 $execute0_lowered;
	[smem:$0x3FD2] =	sst s25  }
0xac: {  	s6 =	sshll.u32 s26, $0x1;
	_ =	strace $0x8000004F;
	[dreg:$0x1] =	wrdreg $0xFFFFFFFF  }
0xad: {  	s28 =	simm.s32 $_size_execute0_lowered;
	s4 =	sadd.s32 s4, s6;
	[dreg:$0x0] =	wrdreg $0x0  }
0xae: {  	s6 =	sshll.u32 s28, $0x1;
	[dreg:$0x2] =	wrdreg s4  }
0xaf: {  	[dreg:$0x3] =	wrdreg s6  }
0xb0: {  	[dreg:$0x4] =	wrdreg $0xC0  }
0xb1: {  	_ =	task [dreg:s8], $0x5FFFF  }
0xb2: {  	[dreg:$0x1] =	wrdreg $0xFFFFFFFF  }
0xb3: {  	[dreg:$0x0] =	wrdreg $0x60  }
0xb4: {  	[dreg:$0x2] =	wrdreg s24  }
0xb5: {  	[dreg:$0x3] =	wrdreg s15  }
0xb6: {  	[dreg:$0x4] =	wrdreg s16  }
0xb7: {  	[dreg:$0x5] =	wrdreg $0x9  }
0xb8: {  	_ =	task.clear_ibuf [dreg:s8], $0x6FFFF;
	_ =	strace $0x9000004F  }
0xb9: {  	s29 =	simm.s32 $0x9;
	_ =	strace $0x80000051  }
0xba: {  	_ =	swait.ge [sflag:s29], $0x1  }
0xbb: {  	[sflag:s29] =	ssyncadd.s32 $0xFFFFFFFF  }
0xbc: {  	_ =	strace $0x90000051  }
0xbd: {  	_ =	sfence  }
0xbe: {  	s30 =	sld [smem:$0x0];
	_ =	sdelay $0x2  }
0xbf: {  	s31 =	sshll.u32 s1, $0xD;
	s1 =	sshrl.u32 s1, $0x2  }
0xc0: {  	s3 =	sand.u32 $0x4000, s31;
	s1 =	sadd.s32 s1, s30  }
0xc1: {  	s0 =	sor.u32 s3, s0;
	s1 =	sshll.u32 s1, $0x11  }
0xc2: {  	s0 =	sor.u32 s1, s0  }
0xc3: {  	s0 =	sadd.s32 $0x8F2B, s0  }
0xc4: {  	[sflag:s0] =	ssyncadd.remote.s32 $0x1  }
0xc5: {  	_ =	sfence.sel $0xFFFF  }
0xc6: {  	[dreg:$0x0] =	wrdreg $0xFFFFFFFF;
	(pc) =	sbr.abs _section_cstart, $3  }
0xc7: {  	[dreg:$0x1] =	wrdreg $0xFFFFFFFF  }
0xc8: {  	_ =	task.clear_ibuf [dreg:s8], $0x2FFFF;
	_ =	strace $0x9FFFFFFF  }
0xc9: {  	(tm) =	ssettm $0x7FFFFFFF  }
tec
execute0_lowered:
.L_overlay_start_1:
0x0: {  	(tag) =	ssettag $0x1  }
0x1: {  	s1 =	srdreg.scid;
	s0 =	stileid.u32  }
0x2: {  	s5 =	rddreg [dreg:$0x0];
	s16 =	sand.u32 $0x1, s1;
	s30 =	sshll.u32 s0, $0x1  }
0x3: {  	s14 =	rddreg [dreg:$0x1];
	s7 =	sor.u32 s16, s30  }
0x4: {  	s15 =	rddreg [dreg:$0x2];
	s17 =	smul.u32 $0x2710, s7  }
0x5: {  	s2 =	simm.s32 $0x0;
	s1 =	rddreg [dreg:$0x3]  }
0x6: {  	[smem:$0x7FF] =	sst s2;
	s3 =	sshrl.u32 s17, $0x3  }
0x7: {  	_ =	strace $0x80000050;
	s4 =	sadd.s32 s14, s3;
	s3 =	simm.s32 $0x1  }
0x8: {  	[tilespmem:s2], [sflag:$0x1] =	stream.linear.gather [hbm4b:s4+s2], $0x7D0, $0x38;
	[tilespmem:$0x84D0] =	vst v63  }
0x9: {  	_ =	swait.ge [sflag:s3], $0x7D0  }
0xa: {  	[sflag:s3] =	ssyncset.done $0x0  }
0xb: {  	s6 =	simm.s32 $0x7D0;
	s5 =	sadd.s32 $0x533800, s5;
	[sflag:s3] =	ssyncadd.s32 $0xFFFFF830  }
0xc: {  	[tilespmem:s6], [sflag:$0x1] =	stream.indirect.gather [hbm4b:s5+s6], $0x10, s2, s6, $0xb8;
	[tilespmem:$0x84D0] =	vst v63  }
0xd: {  	s7 =	smul.u32 $0x4E20, s7;
	_ =	swait.ge [sflag:s3], $0x7D00  }
0xe: {  	[sflag:s3] =	ssyncset.done $0x0  }
0xf: {  	s7 =	sadd.s32 s15, s7;
	[sflag:s3] =	ssyncadd.s32 $0xFFFF8300  }
0x10: {  	[hbm4b:s7+s2] =	stream.linear.scatter [tilespmem:s6], [sflag:$0x1], $0x7D00, $0x38;
	[tilespmem:$0x84D0] =	vst v63  }
0x11: {  	s9 =	sadd.s32 $0x7D0, s17;
	_ =	swait.ge [sflag:s3], $0x7D00  }
0x12: {  	s8 =	sshrl.u32 s9, $0x3;
	[sflag:s3] =	ssyncset.done $0x0  }
0x13: {  	s8 =	sadd.s32 s14, s8;
	[sflag:s3] =	ssyncadd.s32 $0xFFFF8300  }
0x14: {  	[tilespmem:s2], [sflag:$0x1] =	stream.linear.gather [hbm4b:s8+s2], $0x7D0, $0x38;
	[tilespmem:$0x84D0] =	vst v63  }
0x15: {  	_ =	swait.ge [sflag:s3], $0x7D0  }
0x16: {  	[sflag:s3] =	ssyncset.done $0x0  }
0x17: {  	[sflag:s3] =	ssyncadd.s32 $0xFFFFF830  }
0x18: {  	[tilespmem:s6], [sflag:$0x1] =	stream.indirect.gather [hbm4b:s5+s6], $0x10, s2, s6, $0xb8;
	[tilespmem:$0x84D0] =	vst v63  }
0x19: {  	_ =	swait.ge [sflag:s3], $0x7D00  }
0x1a: {  	s9 =	sshll.u32 s9, $0x1;
	[sflag:s3] =	ssyncset.done $0x0  }
0x1b: {  	s9 =	sadd.s32 s15, s9;
	[sflag:s3] =	ssyncadd.s32 $0xFFFF8300  }
0x1c: {  	[hbm4b:s9+s2] =	stream.linear.scatter [tilespmem:s6], [sflag:$0x1], $0x7D00, $0x38;
	[tilespmem:$0x84D0] =	vst v63  }
0x1d: {  	s11 =	sadd.s32 $0xFA0, s17;
	_ =	swait.ge [sflag:s3], $0x7D00  }
0x1e: {  	s10 =	sshrl.u32 s11, $0x3;
	[sflag:s3] =	ssyncset.done $0x0  }
0x1f: {  	s10 =	sadd.s32 s14, s10;
	[sflag:s3] =	ssyncadd.s32 $0xFFFF8300  }
0x20: {  	[tilespmem:s2], [sflag:$0x1] =	stream.linear.gather [hbm4b:s10+s2], $0x7D0, $0x38;
	[tilespmem:$0x84D0] =	vst v63  }
0x21: {  	_ =	swait.ge [sflag:s3], $0x7D0  }
0x22: {  	[sflag:s3] =	ssyncset.done $0x0  }
0x23: {  	[sflag:s3] =	ssyncadd.s32 $0xFFFFF830  }
0x24: {  	[tilespmem:s6], [sflag:$0x1] =	stream.indirect.gather [hbm4b:s5+s6], $0x10, s2, s6, $0xb8;
	[tilespmem:$0x84D0] =	vst v63  }
0x25: {  	_ =	swait.ge [sflag:s3], $0x7D00  }
0x26: {  	s11 =	sshll.u32 s11, $0x1;
	[sflag:s3] =	ssyncset.done $0x0  }
0x27: {  	s11 =	sadd.s32 s15, s11;
	[sflag:s3] =	ssyncadd.s32 $0xFFFF8300  }
0x28: {  	[hbm4b:s11+s2] =	stream.linear.scatter [tilespmem:s6], [sflag:$0x1], $0x7D00, $0x38;
	[tilespmem:$0x84D0] =	vst v63  }
0x29: {  	s13 =	sadd.s32 $0x1770, s17;
	_ =	swait.ge [sflag:s3], $0x7D00  }
0x2a: {  	s12 =	sshrl.u32 s13, $0x3;
	[sflag:s3] =	ssyncset.done $0x0  }
0x2b: {  	s12 =	sadd.s32 s14, s12;
	[sflag:s3] =	ssyncadd.s32 $0xFFFF8300  }
0x2c: {  	[tilespmem:s2], [sflag:$0x1] =	stream.linear.gather [hbm4b:s12+s2], $0x7D0, $0x38;
	[tilespmem:$0x84D0] =	vst v63  }
0x2d: {  	_ =	swait.ge [sflag:s3], $0x7D0  }
0x2e: {  	[sflag:s3] =	ssyncset.done $0x0  }
0x2f: {  	[sflag:s3] =	ssyncadd.s32 $0xFFFFF830  }
0x30: {  	[tilespmem:s6], [sflag:$0x1] =	stream.indirect.gather [hbm4b:s5+s6], $0x10, s2, s6, $0xb8;
	[tilespmem:$0x84D0] =	vst v63  }
0x31: {  	_ =	swait.ge [sflag:s3], $0x7D00  }
0x32: {  	s13 =	sshll.u32 s13, $0x1;
	[sflag:s3] =	ssyncset.done $0x0  }
0x33: {  	s13 =	sadd.s32 s15, s13;
	[sflag:s3] =	ssyncadd.s32 $0xFFFF8300  }
0x34: {  	[hbm4b:s13+s2] =	stream.linear.scatter [tilespmem:s6], [sflag:$0x1], $0x7D00, $0x38;
	[tilespmem:$0x84D0] =	vst v63  }
0x35: {  	s17 =	sadd.s32 $0x1F40, s17;
	_ =	swait.ge [sflag:s3], $0x7D00  }
0x36: {  	s18 =	sshrl.u32 s17, $0x3;
	[sflag:s3] =	ssyncset.done $0x0  }
0x37: {  	s16 =	ssub.s32 $0x2, s16;
	s14 =	sadd.s32 s14, s18;
	[sflag:s3] =	ssyncadd.s32 $0xFFFF8300  }
0x38: {  	[tilespmem:s2], [sflag:$0x1] =	stream.linear.gather [hbm4b:s14+s2], $0x7D0, $0x38;
	[tilespmem:$0x84D0] =	vst v63  }
0x39: {  	s31 =	sshrl.u32 s16, $0x1;
	_ =	swait.ge [sflag:s3], $0x7D0  }
0x3a: {  	s16 =	ssub.s32 s16, s31;
	[sflag:s3] =	ssyncset.done $0x0  }
0x3b: {  	s16 =	smax.u32 s16, $0x1;
	[sflag:s3] =	ssyncadd.s32 $0xFFFFF830  }
0x3c: {  	[tilespmem:s6], [sflag:$0x1] =	stream.indirect.gather [hbm4b:s5+s6], $0x10, s2, s6, $0xb8;
	[tilespmem:$0x84D0] =	vst v63  }
0x3d: {  	p0 =	sne.s32 s16, $0x1;
	_ =	swait.ge [sflag:s3], $0x7D00  }
.Ltmp0:
0x3e: {  	s17 =	sshll.u32 s17, $0x1;
	[sflag:s3] =	ssyncset.done $0x0;
	(pc) =	sbr.rel @!p0 .LBB2_2-.Ltmp0, $4  }
0x3f: {  	s15 =	sadd.s32 s15, s17;
	[sflag:s3] =	ssyncadd.s32 $0xFFFF8300  }
0x40: {  	[hbm4b:s15+s2] =	stream.linear.scatter [tilespmem:s6], [sflag:$0x1], $0x7D00, $0x38;
	[tilespmem:$0x84D0] =	vst v63  }
0x41: {  	_ =	swait.ge [sflag:s3], $0x7D00  }
0x42: {  	s16 =	sadd.s32 $0xFFFFFFFF, s16;
	[sflag:s3] =	ssyncset.done $0x0  }
.LBB2_1:
0x43: {  	p0 =	sne.s32 s16, $0x1;
	s16 =	sadd.s32 $0xFFFFFFFF, s16;
	[sflag:s3] =	ssyncadd.s32 $0xFFFF8300  }
0x44: {  	[tilespmem:s2], [sflag:$0x1] =	stream.linear.gather [hbm4b:s4+s2], $0x7D0, $0x38;
	[tilespmem:$0x84D0] =	vst v63  }
0x45: {  	_ =	swait.ge [sflag:s3], $0x7D0  }
0x46: {  	[sflag:s3] =	ssyncset.done $0x0  }
0x47: {  	[sflag:s3] =	ssyncadd.s32 $0xFFFFF830  }
0x48: {  	[tilespmem:s6], [sflag:$0x1] =	stream.indirect.gather [hbm4b:s5+s6], $0x10, s2, s6, $0xb8;
	[tilespmem:$0x84D0] =	vst v63  }
0x49: {  	_ =	swait.ge [sflag:s3], $0x7D00  }
0x4a: {  	[sflag:s3] =	ssyncset.done $0x0  }
0x4b: {  	[sflag:s3] =	ssyncadd.s32 $0xFFFF8300  }
0x4c: {  	[hbm4b:s7+s2] =	stream.linear.scatter [tilespmem:s6], [sflag:$0x1], $0x7D00, $0x38;
	[tilespmem:$0x84D0] =	vst v63  }
0x4d: {  	_ =	swait.ge [sflag:s3], $0x7D00  }
0x4e: {  	[sflag:s3] =	ssyncset.done $0x0  }
0x4f: {  	[sflag:s3] =	ssyncadd.s32 $0xFFFF8300  }
0x50: {  	[tilespmem:s2], [sflag:$0x1] =	stream.linear.gather [hbm4b:s8+s2], $0x7D0, $0x38;
	[tilespmem:$0x84D0] =	vst v63  }
0x51: {  	_ =	swait.ge [sflag:s3], $0x7D0  }
0x52: {  	[sflag:s3] =	ssyncset.done $0x0  }
0x53: {  	[sflag:s3] =	ssyncadd.s32 $0xFFFFF830  }
0x54: {  	[tilespmem:s6], [sflag:$0x1] =	stream.indirect.gather [hbm4b:s5+s6], $0x10, s2, s6, $0xb8;
	[tilespmem:$0x84D0] =	vst v63  }
0x55: {  	_ =	swait.ge [sflag:s3], $0x7D00  }
0x56: {  	[sflag:s3] =	ssyncset.done $0x0  }
0x57: {  	[sflag:s3] =	ssyncadd.s32 $0xFFFF8300  }
0x58: {  	[hbm4b:s9+s2] =	stream.linear.scatter [tilespmem:s6], [sflag:$0x1], $0x7D00, $0x38;
	[tilespmem:$0x84D0] =	vst v63  }
0x59: {  	_ =	swait.ge [sflag:s3], $0x7D00  }
0x5a: {  	[sflag:s3] =	ssyncset.done $0x0  }
0x5b: {  	[sflag:s3] =	ssyncadd.s32 $0xFFFF8300  }
0x5c: {  	[tilespmem:s2], [sflag:$0x1] =	stream.linear.gather [hbm4b:s10+s2], $0x7D0, $0x38;
	[tilespmem:$0x84D0] =	vst v63  }
0x5d: {  	_ =	swait.ge [sflag:s3], $0x7D0  }
0x5e: {  	[sflag:s3] =	ssyncset.done $0x0  }
0x5f: {  	[sflag:s3] =	ssyncadd.s32 $0xFFFFF830  }
0x60: {  	[tilespmem:s6], [sflag:$0x1] =	stream.indirect.gather [hbm4b:s5+s6], $0x10, s2, s6, $0xb8;
	[tilespmem:$0x84D0] =	vst v63  }
0x61: {  	_ =	swait.ge [sflag:s3], $0x7D00  }
0x62: {  	[sflag:s3] =	ssyncset.done $0x0  }
0x63: {  	[sflag:s3] =	ssyncadd.s32 $0xFFFF8300  }
0x64: {  	[hbm4b:s11+s2] =	stream.linear.scatter [tilespmem:s6], [sflag:$0x1], $0x7D00, $0x38;
	[tilespmem:$0x84D0] =	vst v63  }
0x65: {  	_ =	swait.ge [sflag:s3], $0x7D00  }
0x66: {  	[sflag:s3] =	ssyncset.done $0x0  }
0x67: {  	[sflag:s3] =	ssyncadd.s32 $0xFFFF8300  }
0x68: {  	[tilespmem:s2], [sflag:$0x1] =	stream.linear.gather [hbm4b:s12+s2], $0x7D0, $0x38;
	[tilespmem:$0x84D0] =	vst v63  }
0x69: {  	_ =	swait.ge [sflag:s3], $0x7D0  }
0x6a: {  	[sflag:s3] =	ssyncset.done $0x0  }
0x6b: {  	[sflag:s3] =	ssyncadd.s32 $0xFFFFF830  }
0x6c: {  	[tilespmem:s6], [sflag:$0x1] =	stream.indirect.gather [hbm4b:s5+s6], $0x10, s2, s6, $0xb8;
	[tilespmem:$0x84D0] =	vst v63  }
0x6d: {  	_ =	swait.ge [sflag:s3], $0x7D00  }
0x6e: {  	[sflag:s3] =	ssyncset.done $0x0  }
0x6f: {  	[sflag:s3] =	ssyncadd.s32 $0xFFFF8300  }
0x70: {  	[hbm4b:s13+s2] =	stream.linear.scatter [tilespmem:s6], [sflag:$0x1], $0x7D00, $0x38;
	[tilespmem:$0x84D0] =	vst v63  }
0x71: {  	_ =	swait.ge [sflag:s3], $0x7D00  }
0x72: {  	[sflag:s3] =	ssyncset.done $0x0  }
0x73: {  	[sflag:s3] =	ssyncadd.s32 $0xFFFF8300  }
0x74: {  	[tilespmem:s2], [sflag:$0x1] =	stream.linear.gather [hbm4b:s14+s2], $0x7D0, $0x38;
	[tilespmem:$0x84D0] =	vst v63  }
0x75: {  	_ =	swait.ge [sflag:s3], $0x7D0  }
0x76: {  	[sflag:s3] =	ssyncset.done $0x0  }
0x77: {  	[sflag:s3] =	ssyncadd.s32 $0xFFFFF830  }
0x78: {  	[tilespmem:s6], [sflag:$0x1] =	stream.indirect.gather [hbm4b:s5+s6], $0x10, s2, s6, $0xb8;
	[tilespmem:$0x84D0] =	vst v63  }
0x79: {  	_ =	swait.ge [sflag:s3], $0x7D00  }
.Ltmp1:
0x7a: {  	[sflag:s3] =	ssyncset.done $0x0;
	(pc) =	sbr.rel @p0 .LBB2_1-.Ltmp1, $4  }
0x7b: {  	[sflag:s3] =	ssyncadd.s32 $0xFFFF8300  }
0x7c: {  	[hbm4b:s15+s2] =	stream.linear.scatter [tilespmem:s6], [sflag:$0x1], $0x7D00, $0x38;
	[tilespmem:$0x84D0] =	vst v63  }
0x7d: {  	_ =	swait.ge [sflag:s3], $0x7D00  }
0x7e: {  	[sflag:s3] =	ssyncset.done $0x0  }
.LBB2_2:
0x7f: {  	[sflag:s3] =	ssyncadd.s32 $0xFFFF8300  }
0x80: {  	_ =	sfence.sel $0x180000  }
0x81: {  	[bflag:$0x0] =	sbarrier.arrive $0xFFFF  }
0x82: {  	p0 =	sne.s32 s0, $0x0;
	_ =	strace $0x90000050  }
0x83: {  	s0 =	sadd.s32 @!p0 $0x100000, s1;
	[bflag:$0x2] =	sbarrier.arrive $0xFFFF  }
0x84: {  	[sflag:s0] =	ssyncadd.tile.s32 @!p0 $0x1;
	_ =	shalt  }
.Lfunc_end2:
_tile_overlayer_lowered:
.L_overlay_start_2:
0x85: {  	(tag) =	ssettag $0x2  }
0x86: {  	s0 =	rddreg [dreg:$0x0];
	s2 =	stileid.u32  }
0x87: {  	s1 =	rddreg [dreg:$0x1];
	p0 =	sne.s32 s2, $0x0  }
0x88: {  	s3 =	rddreg [dreg:$0x2];
	[bflag:$0x3] =	sbarrier.arrive $0xFFFF;
	s2 =	simm.s32 @!p0 $0x1C01  }
0x89: {  	[timem:s3], [sflag:s2] =	dma.local @!p0 [hbm:s0], s1  }
0x8a: {  	s0 =	simm.s32 @!p0 $0x1  }
0x8b: {  	_ =	swait.ge @!p0 [sflag:s0], s1  }
0x8c: {  	s1 =	ssub.s32 @!p0 $0x0, s1;
	[sflag:s0] =	ssyncset.done @!p0 $0x0  }
0x8d: {  	[sflag:s0] =	ssyncadd.s32 @!p0 s1  }
0x8e: {  	[bflag:$0x3] =	sbarrier.arrive $0xFFFF  }
0x8f: {  	_ =	shalt  }

// kernel: kernel.19.cloned.1.call-start
scs
__scs_entry_jumppad:
0x0: {  	(pc) =	sbr.rel $0x88, $3  }
0x1: {  	(tag) =	ssettag $0x0;
	lr =	simm.s32 $0x1  }
0x2: {  	[smem:$0x3F93] =	sst lr;
	_ =	strace $0xD0000000  }
0x3: {  	_ = 	snop  }
0x4: {  	_ = 	snop  }
0x5: {  	_ = 	snop  }
0x6: {  	_ = 	snop  }
0x7: {  	_ = 	snop  }
__scs_overlays_trampoline_lowered:
0x8: {  	[smem:$0x3FA2] =	sst s0  }
0x9: {  	[smem:$0x3FA3] =	sst s1  }
0xa: {  	[smem:$0x3FA4] =	sst s2  }
0xb: {  	[smem:$0x3FA5] =	sst s3  }
0xc: {  	[smem:$0x3FA6] =	sst s4  }
0xd: {  	[smem:$0x3FA7] =	sst s5  }
0xe: {  	[smem:$0x3FA8] =	sst s6  }
0xf: {  	[smem:$0x3FA9] =	sst s7  }
0x10: {  	[smem:$0x3FAA] =	sst s8  }
0x11: {  	[smem:$0x3FAB] =	sst s9;
	s0 =	simm.s32 @!p0 $0x0  }
0x12: {  	s1 =	sld [smem:$0x3F91];
	s0 =	simm.s32 @p0 $0x1  }
0x13: {  	[smem:$0x3FAC] =	sst s0;
	s0 =	simm.s32 @!p1 $0x0  }
0x14: {  	s2 =	sld [smem:$0x3F90];
	s0 =	simm.s32 @p1 $0x1  }
0x15: {  	[smem:$0x3FAD] =	sst s0;
	s0 =	simm.s32 @!p2 $0x0  }
0x16: {  	s3 =	sld [smem:$0x3FDB];
	s0 =	simm.s32 @p2 $0x1  }
0x17: {  	s4 =	simm.s32 $0x1BF5;
	[smem:$0x3FAF] =	sst s0  }
0x18: {  	s0 =	sld [smem:$0x3F92];
	_ =	swait.ge [sflag:s4], $0x0  }
0x19: {  	s7 =	sld [smem:$0x3F93]  }
0x1a: {  	s8 =	sadd.s32 $0xFFFFE003, lr  }
0x1b: {  	s9 =	sadd.s32 $0xFFFFFEF7, lr;
	s5 =	simm.s32 $0xFFFFFFFF;
	p2 =	slt.u32 s8, $0xFFFFF086  }
0x1c: {  	p1 =	slt.u32 s9, $0xF7A;
	s5 =	simm.s32 @!p2 $0x0  }
0x1d: {  	s5 =	simm.s32 @p1 $0x1;
	p0 =	seq.s32 s7, s2  }
0x1e: {  	s7 =	smul.u32 @!p0 $0xF7A, s2;
	p2 =	seq.s32 @!p0 s5, $0x0  }
0x1f: {  	s9 =	smul.u32 $0xF7A, s1;
	s8 =	simm.s32 @!p0 $0x1BF5;
	p2 =	por !p2, p0  }
0x20: {  	[sflag:s8] =	ssyncset.s32 @!p0 $0xFFFFF086;
	s6 =	sadd.s32 @!p0 s3, s7;
	s7 =	simm.s32 @!p0 $0x108  }
0x21: {  	s3 =	sadd.s32 s3, s9;
	s6 =	sadd.s32 @!p0 $0x88, s6;
	s7 =	simm.s32 @p2 $0x1082  }
0x22: {  	[simem:s7], [sflag:s8] =	dma.local @!p0 [hbm:s6], $0xF7A  }
0x23: {  	s9 =	sor.u32 $0xD0000000, s2;
	s6 =	simm.s32 $0x108;
	_ =	swait.ge @!p0 [sflag:s8], $0x0  }
0x24: {  	s3 =	sadd.s32 $0x88, s3;
	s6 =	simm.s32 @!p1 $0x1082;
	[sflag:s4] =	ssyncset.s32 $0xFFFFF086  }
0x25: {  	[simem:s6], [sflag:s4] =	dma.local [hbm:s3], $0xF7A  }
0x26: {  	[smem:$0x3F93] =	sst s1;
	(tag) =	ssettag s2;
	_ =	strace s9  }
0x27: {  	s1 =	sld [smem:$0x3FA3]  }
0x28: {  	s2 =	sld [smem:$0x3FA4]  }
0x29: {  	s4 =	sld [smem:$0x3FA6]  }
0x2a: {  	p0 =	seq.s32 s5, $0x0;
	s5 =	sld [smem:$0x3FA7]  }
0x2b: {  	s6 =	sld [smem:$0x3FA8]  }
0x2c: {  	s7 =	sld [smem:$0x3FA9]  }
0x2d: {  	s3 =	simm.s32 $0x108;
	s8 =	sld [smem:$0x3FAA]  }
0x2e: {  	s3 =	simm.s32 @!p0 $0x1082;
	s9 =	sld [smem:$0x3FAB]  }
0x2f: {  	lr =	sadd.s32 s0, s3;
	s0 =	sld [smem:$0x3FA2]  }
0x30: {  	s3 =	sld [smem:$0x3FA5]  }
0x31: {  	[smem:$0x3FAE] =	sst s10  }
0x32: {  	s10 =	sld [smem:$0x3FAC];
	_ =	sdelay $0x3  }
0x33: {  	p0 =	seq.s32 s10, $0x1;
	s10 =	sld [smem:$0x3FAE];
	_ =	sdelay $0x3  }
0x34: {  	[smem:$0x3FAE] =	sst s10  }
0x35: {  	s10 =	sld [smem:$0x3FAD];
	_ =	sdelay $0x3  }
0x36: {  	p1 =	seq.s32 s10, $0x1;
	s10 =	sld [smem:$0x3FAE];
	_ =	sdelay $0x3  }
0x37: {  	[smem:$0x3FAE] =	sst s10  }
0x38: {  	s10 =	sld [smem:$0x3FAF]  }
0x39: {  	_ = 	snop;
	(pc) =	sbr.ind lr, $3  }
0x3a: {  	_ = 	snop  }
0x3b: {  	_ = 	snop  }
0x3c: {  	p2 =	seq.s32 s10, $0x1;
	s10 =	sld [smem:$0x3FAE]  }
0x3d: {  	_ =	shalt  }
0x3e: {  	_ =	shalt  }
0x3f: {  	_ =	shalt  }
0x40: {  	_ =	shalt  }
0x41: {  	_ =	shalt  }
0x42: {  	_ =	shalt  }
0x43: {  	_ =	shalt  }
0x44: {  	_ =	shalt  }
0x45: {  	_ =	shalt  }
0x46: {  	_ =	shalt  }
0x47: {  	_ =	shalt  }
0x48: {  	_ =	shalt  }
0x49: {  	_ =	shalt  }
0x4a: {  	_ =	shalt  }
0x4b: {  	_ =	shalt  }
0x4c: {  	_ =	shalt  }
0x4d: {  	_ =	shalt  }
0x4e: {  	_ =	shalt  }
0x4f: {  	_ =	shalt  }
0x50: {  	_ =	shalt  }
0x51: {  	_ =	shalt  }
0x52: {  	_ =	shalt  }
0x53: {  	_ =	shalt  }
0x54: {  	_ =	shalt  }
0x55: {  	_ =	shalt  }
0x56: {  	_ =	shalt  }
0x57: {  	_ =	shalt  }
0x58: {  	_ =	shalt  }
0x59: {  	_ =	shalt  }
0x5a: {  	_ =	shalt  }
0x5b: {  	_ =	shalt  }
0x5c: {  	_ =	shalt  }
0x5d: {  	_ =	shalt  }
0x5e: {  	_ =	shalt  }
0x5f: {  	_ =	shalt  }
0x60: {  	_ =	shalt  }
0x61: {  	_ =	shalt  }
0x62: {  	_ =	shalt  }
0x63: {  	_ =	shalt  }
0x64: {  	_ =	shalt  }
0x65: {  	_ =	shalt  }
0x66: {  	_ =	shalt  }
0x67: {  	_ =	shalt  }
0x68: {  	_ =	shalt  }
0x69: {  	_ =	shalt  }
0x6a: {  	_ =	shalt  }
0x6b: {  	_ =	shalt  }
0x6c: {  	_ =	shalt  }
0x6d: {  	_ =	shalt  }
0x6e: {  	_ =	shalt  }
0x6f: {  	_ =	shalt  }
0x70: {  	_ =	shalt  }
0x71: {  	_ =	shalt  }
0x72: {  	_ =	shalt  }
0x73: {  	_ =	shalt  }
0x74: {  	_ =	shalt  }
0x75: {  	_ =	shalt  }
0x76: {  	_ =	shalt  }
0x77: {  	_ =	shalt  }
0x78: {  	_ =	shalt  }
0x79: {  	_ =	shalt  }
0x7a: {  	_ =	shalt  }
0x7b: {  	_ =	shalt  }
0x7c: {  	_ =	shalt  }
0x7d: {  	_ =	shalt  }
0x7e: {  	_ =	shalt  }
0x7f: {  	_ =	shalt  }
0x80: {  	_ =	shalt  }
0x81: {  	_ =	shalt  }
0x82: {  	_ =	shalt  }
0x83: {  	_ =	shalt  }
0x84: {  	_ =	shalt  }
0x85: {  	_ =	shalt  }
0x86: {  	_ =	shalt  }
0x87: {  	_ =	shalt  }
.Lfunc_end0:
.L_simem_size_0:
called_computation.4_lowered:
.L_overlay_start_0:
0x88: {  	s2 =	sld [smem:$0x3FD9]  }
0x89: {  	s3 =	sld [smem:$0x3FFE];
	_ =	sdelay $0x1  }
0x8a: {  	s1 =	srdreg.scid  }
0x8b: {  	s0 =	sand.u32 $0x1, s1  }
0x8c: {  	s14 =	sshll.u32 s0, $0xA;
	s2 =	sadd.s32 s3, s2  }
0x8d: {  	s2 =	sadd.s32 s2, s14  }
0x8e: {  	[smem:$0x3FBA] =	sst s2  }
0x8f: {  	_ = 	snop  }
0x90: {  	s2 =	sld [smem:$0x3FD0];
	_ =	sdelay $0x2  }
0x91: {  	s4 =	simm.s32 $0xA;
	s5 =	simm.s32 $0x10;
	s15 =	sld [smem:$0x3FC6]  }
0x92: {  	[smem:s5], [sflag:s4] =	dma.local [hbm:s2], $0x1  }
0x93: {  	_ =	swait.eq [sflag:s4], $0x1  }
0x94: {  	[sflag:s4] =	ssyncset.done $0x0  }
0x95: {  	[sflag:s4] =	ssyncadd.s32 $0xFFFFFFFF  }
0x96: {  	s16 =	sld [smem:$0x11];
	(tm) =	ssettm $0x1  }
0x97: {  	s17 =	sld [smem:$0x3FFB];
	_ =	sdelay $0x3  }
0x98: {  	_ =	strace s17  }
0x99: {  	s4 =	sld [smem:$0x3FFC];
	_ =	sdelay $0x3  }
0x9a: {  	_ =	strace s4  }
0x9b: {  	s4 =	sld [smem:$0x3FFD];
	_ =	sdelay $0x3  }
0x9c: {  	_ =	strace s4  }
0x9d: {  	_ =	strace $0x8FFFFFFF  }
0x9e: {  	s18 =	sld [smem:$0x3FDB];
	_ =	sdelay $0x1  }
0x9f: {  	s19 =	simm.s32 $_scs_section_size  }
0xa0: {  	s6 =	simm.s32 $_size__tile_overlayer_lowered;
	s7 =	simm.s32 $_tile_overlayer_lowered  }
0xa1: {  	s22 =	simm.s32 $0x1BFF;
	s21 =	sshll.u32 s7, $0x1;
	s4 =	sadd.s32 s19, s18  }
0xa2: {  	s8 =	simm.s32 $0x0;
	s20 =	sshll.u32 s6, $0x1;
	s6 =	sadd.s32 s21, s4  }
0xa3: {  	[timem:s8], [sflag:s22] =	dma.local [hbm:s6], s20  }
0xa4: {  	_ =	swait.ge [sflag:s22], s20  }
0xa5: {  	s5 =	ssub.s32 $0x0, s20;
	[sflag:s22] =	ssyncset.done $0x0  }
0xa6: {  	[sflag:s22] =	ssyncadd.s32 s5;
	_ =	sdelay $0x1  }
0xa7: {  	s23 =	simm.s32 $0x1B8B  }
0xa8: {  	_ =	swait.ge [sflag:s23], $0x1  }
0xa9: {  	[sflag:s23] =	ssyncset.done $0x0  }
0xaa: {  	s25 =	simm.s32 $0x1B8E;
	s24 =	sld [smem:$0x3FFE];
	[sflag:s23] =	ssyncadd.s32 $0xFFFFFFFF  }
0xab: {  	s26 =	simm.s32 $execute0_lowered;
	[smem:$0x3FD2] =	sst s25  }
0xac: {  	s6 =	sshll.u32 s26, $0x1;
	_ =	strace $0x80000052;
	[dreg:$0x1] =	wrdreg $0xFFFFFFFF  }
0xad: {  	s28 =	simm.s32 $_size_execute0_lowered;
	s4 =	sadd.s32 s4, s6;
	[dreg:$0x0] =	wrdreg $0x0  }
0xae: {  	s6 =	sshll.u32 s28, $0x1;
	[dreg:$0x2] =	wrdreg s4  }
0xaf: {  	[dreg:$0x3] =	wrdreg s6  }
0xb0: {  	[dreg:$0x4] =	wrdreg $0xC0  }
0xb1: {  	_ =	task [dreg:s8], $0x5FFFF  }
0xb2: {  	[dreg:$0x1] =	wrdreg $0xFFFFFFFF  }
0xb3: {  	[dreg:$0x0] =	wrdreg $0x60  }
0xb4: {  	[dreg:$0x2] =	wrdreg s16  }
0xb5: {  	[dreg:$0x3] =	wrdreg s15  }
0xb6: {  	[dreg:$0x4] =	wrdreg s24  }
0xb7: {  	[dreg:$0x5] =	wrdreg $0x35200  }
0xb8: {  	[dreg:$0x6] =	wrdreg $0x9  }
0xb9: {  	_ =	task.clear_ibuf [dreg:s8], $0x7FFFF;
	_ =	strace $0x90000052  }
0xba: {  	s29 =	simm.s32 $0x9;
	_ =	strace $0x80000054  }
0xbb: {  	_ =	swait.ge [sflag:s29], $0x1  }
0xbc: {  	[sflag:s29] =	ssyncadd.s32 $0xFFFFFFFF  }
0xbd: {  	_ =	strace $0x90000054  }
0xbe: {  	_ =	sfence  }
0xbf: {  	s30 =	sld [smem:$0x0];
	_ =	sdelay $0x2  }
0xc0: {  	s31 =	sshll.u32 s1, $0xD;
	s1 =	sshrl.u32 s1, $0x2  }
0xc1: {  	s3 =	sand.u32 $0x4000, s31;
	s1 =	sadd.s32 s1, s30  }
0xc2: {  	s0 =	sor.u32 s3, s0;
	s1 =	sshll.u32 s1, $0x11  }
0xc3: {  	s0 =	sor.u32 s1, s0  }
0xc4: {  	s0 =	sadd.s32 $0x8F2B, s0  }
0xc5: {  	[sflag:s0] =	ssyncadd.remote.s32 $0x1  }
0xc6: {  	_ =	sfence.sel $0xFFFF  }
0xc7: {  	[dreg:$0x0] =	wrdreg $0xFFFFFFFF;
	(pc) =	sbr.abs _section_cstart, $3  }
0xc8: {  	[dreg:$0x1] =	wrdreg $0xFFFFFFFF  }
0xc9: {  	_ =	task.clear_ibuf [dreg:s8], $0x2FFFF;
	_ =	strace $0x9FFFFFFF  }
0xca: {  	(tm) =	ssettm $0x7FFFFFFF  }
0xcb: {  	_ =	shalt  }
tec
execute0_lowered:
.L_overlay_start_1:
0x0: {  	(tag) =	ssettag $0x1  }
0x1: {  	s1 =	rddreg [dreg:$0x0]  }
0x2: {  	s2 =	rddreg [dreg:$0x1]  }
0x3: {  	s6 =	rddreg [dreg:$0x2]  }
0x4: {  	s3 =	rddreg [dreg:$0x3];
	s4 =	srdreg.scid  }
0x5: {  	s0 =	rddreg [dreg:$0x4];
	s12 =	stileid.u32;
	s11 =	simm.s32 $0x320  }
0x6: {  	s18 =	simm.s32 $0x0;
	s7 =	sand.u32 $0x1, s4;
	s8 =	smul.u32 $0x1388, s12  }
0x7: {  	s4 =	simm.s32 $0x0;
	s5 =	sadd.s32 $0x4E5400, s6;
	s10 =	smul.u32 $0x4E200, s12  }
0x8: {  	s13 =	smul.u32 $0x13880, s7;
	[smem:$0x7FF] =	sst s4;
	s7 =	ssub.s32 $0x2, s7  }
0x9: {  	p0 =	sne.s32 s12, $0x0;
	_ =	strace $0x80000053;
	s9 =	sshrl.u32 s7, $0x1  }
0xa: {  	s31 =	sshrl.u32 s10, $0x2;
	s10 =	simm.s32 $0x1;
	s8 =	sadd.s32 s8, s13  }
0xb: {  	s9 =	ssub.s32 s7, s9;
	s14 =	sadd.s32 s31, s3;
	s8 =	sshll.u32 s8, $0x1  }
0xc: {  	v0 =	vmov s13;
	s13 =	sshrl.u32 s14, $0x3;
	s14 =	simm.s32 $0x0;
	s8 =	sadd.s32 s8, s6  }
0xd: {  	s6 =	smul.u32 $0x4E20, s12;
	s12 =	sshll.u32 s12, $0x6;
	s7 =	sadd.s32 $0x3400, s8  }
0xe: {  	s8 =	smax.u32 s9, $0x1;
	s9 =	sshrl.u32 @!p0 s3, $0x3;
	s12 =	sor.u32 $0x1C01, s12  }
.LBB2_1:
0xf: {  	s15 =	simm.s32 @!p0 $0x1C01  }
0x10: {  	[spmem:s9], [sflag:s15] =	dma.local @!p0 [hbm:s5], $0x27110  }
0x11: {  	s15 =	simm.s32 @!p0 $0x1  }
0x12: {  	_ =	swait.ge @!p0 [sflag:s15], $0x27110  }
0x13: {  	[sflag:s15] =	ssyncset.done @!p0 $0x0  }
0x14: {  	[sflag:s15] =	ssyncadd.s32 @!p0 $0xFFFD8EF0  }
0x15: {  	s15 =	simm.s32 $0x0;
	[bflag:$0x0] =	sbarrier.arrive $0xFFFF  }
.LBB2_2:
0x16: {  	s16 =	smul.u32 $0x320, s15;
	_ =	sdelay $0x1  }
0x17: {  	s16 =	sadd.s32 s6, s16  }
0x18: {  	s17 =	sshrl.u32 s16, $0x3  }
0x19: {  	s17 =	sadd.s32 s2, s17  }
0x1a: {  	[tilespmem:s18], [sflag:$0x1] =	stream.linear.gather [hbm4b:s17+s18], $0x320, $0x38;
	[tilespmem:$0x16DA8] =	vst v63  }
0x1b: {  	_ =	swait.ge [sflag:s10], $0x320  }
0x1c: {  	s16 =	sshll.u32 s16, $0x1;
	[sflag:s10] =	ssyncset.done $0x0  }
0x1d: {  	s16 =	sadd.s32 s1, s16;
	[sflag:s10] =	ssyncadd.s32 $0xFFFFFCE0  }
0x1e: {  	[tilespmem:s11], [sflag:$0x1] =	stream.linear.gather [hbm4b:s16+s18], $0x3200, $0x38;
	[tilespmem:$0x16DA8] =	vst v63  }
0x1f: {  	_ =	swait.ge [sflag:s10], $0x3200  }
0x20: {  	[sflag:s10] =	ssyncset.done $0x0  }
0x21: {  	s17 =	simm.s32 $0x40;
	s16 =	simm.s32 $0x0;
	[sflag:s10] =	ssyncadd.s32 $0xFFFFCE00  }
.LBB2_3:
0x22: {  	p1 =	sne.s32 s17, $0xC40;
	v1 =	vld [tilespmem:s16+$0x0];
	_ =	sdelay $0x2  }
.Ltmp0:
0x23: {  	(pc) =	sbr.rel @p1 .LBB2_3-.Ltmp0, $4  }
0x24: {  	_ = 	snop  }
0x25: {  	v1 =	vsub.s32 v1, v0  }
0x26: {  	v1 =	vmin.u32 v1, $0x13880  }
0x27: {  	[tilespmem:s16+$0x0] =	vst v1;
	s16 =	sshra.s32 s17, $0x2;
	s17 =	sadd.s32 $0x40, s17  }
0x28: {  	v1 =	vld [tilespmem:s16+$0x0];
	_ =	sdelay $0x4  }
0x29: {  	s15 =	sadd.s32 $0x1, s15;
	v1 =	vsub.s32 v1, v0  }
0x2a: {  	p1 =	sne.s32 s15, $0x19;
	v1 =	vmin.u32 v1, $0x13880  }
.Ltmp1:
0x2b: {  	[tilespmem:s16+$0x0] =	vst v1;
	(pc) =	sbr.rel @p1 .LBB2_2-.Ltmp1, $4  }
0x2c: {  	[spmem:s3] =	stream.indirect.scatter.add.f32 [tilespmem:s11], [sflag:$0x1], $0x10, s4, s11, $0xb8;
	[tilespmem:$0x16DA8] =	vst v63  }
0x2d: {  	_ =	swait.ge [sflag:s10], $0x3200  }
0x2e: {  	[sflag:s10] =	ssyncset.done $0x0  }
0x2f: {  	[sflag:s10] =	ssyncadd.s32 $0xFFFFCE00  }
0x30: {  	s14 =	sadd.s32 $0x1, s14  }
0x31: {  	p1 =	sne.s32 s14, s8  }
.Ltmp2:
0x32: {  	[bflag:$0x0] =	sbarrier.arrive $0xFFFF;
	(pc) =	sbr.rel @p1 .LBB2_1-.Ltmp2, $4  }
0x33: {  	[hbm:s7], [sflag:s12] =	dma.local [spmem:s13], $0x2710  }
0x34: {  	_ =	swait.ge [sflag:s10], $0x2710  }
0x35: {  	[sflag:s10] =	ssyncset.done $0x0  }
0x36: {  	[sflag:s10] =	ssyncadd.s32 $0xFFFFD8F0  }
0x37: {  	_ =	sfence.sel $0x180000  }
0x38: {  	[bflag:$0x0] =	sbarrier.arrive $0xFFFF  }
0x39: {  	_ =	strace $0x90000053  }
0x3a: {  	s0 =	sadd.s32 @!p0 $0x100000, s0;
	[bflag:$0x2] =	sbarrier.arrive $0xFFFF  }
0x3b: {  	[sflag:s0] =	ssyncadd.tile.s32 @!p0 $0x1;
	_ =	shalt  }
.Lfunc_end2:
_tile_overlayer_lowered:
.L_overlay_start_2:
0x3c: {  	(tag) =	ssettag $0x2  }
0x3d: {  	s0 =	rddreg [dreg:$0x0];
	s2 =	stileid.u32  }
0x3e: {  	s1 =	rddreg [dreg:$0x1];
	p0 =	sne.s32 s2, $0x0  }
0x3f: {  	s3 =	rddreg [dreg:$0x2];
	[bflag:$0x3] =	sbarrier.arrive $0xFFFF;
	s2 =	simm.s32 @!p0 $0x1C01  }
0x40: {  	[timem:s3], [sflag:s2] =	dma.local @!p0 [hbm:s0], s1  }
0x41: {  	s0 =	simm.s32 @!p0 $0x1  }
0x42: {  	_ =	swait.ge @!p0 [sflag:s0], s1  }
0x43: {  	s1 =	ssub.s32 @!p0 $0x0, s1;
	[sflag:s0] =	ssyncset.done @!p0 $0x0  }
0x44: {  	[sflag:s0] =	ssyncadd.s32 @!p0 s1  }
0x45: {  	[bflag:$0x3] =	sbarrier.arrive $0xFFFF  }
0x46: {  	_ =	shalt  }

// kernel: sparse-core-data-format-call.cloned.1.call-start
scs
called_computation_lowered:
.L_overlay_start_0:
0x0: {  	s2 =	sld [smem:$0x3FD9]  }
0x1: {  	s3 =	sld [smem:$0x3FFE];
	_ =	sdelay $0x1  }
0x2: {  	s1 =	srdreg.scid  }
0x3: {  	s0 =	sand.u32 $0x1, s1  }
0x4: {  	s18 =	sshll.u32 s0, $0xA;
	s2 =	sadd.s32 s3, s2  }
0x5: {  	s2 =	sadd.s32 s2, s18  }
0x6: {  	[smem:$0x3FBA] =	sst s2  }
0x7: {  	_ = 	snop  }
0x8: {  	s2 =	sld [smem:$0x3FC8];
	(tm) =	ssettm $0x1  }
0x9: {  	s19 =	sld [smem:$0x3FFB];
	_ =	sdelay $0x3  }
0xa: {  	_ =	strace s19  }
0xb: {  	s3 =	sld [smem:$0x3FFC];
	_ =	sdelay $0x3  }
0xc: {  	_ =	strace s3  }
0xd: {  	s3 =	sld [smem:$0x3FFD];
	_ =	sdelay $0x3  }
0xe: {  	_ =	strace s3  }
0xf: {  	_ =	strace $0x8FFFFFFF  }
0x10: {  	s20 =	sld [smem:$0x3FDB];
	_ =	sdelay $0x1  }
0x11: {  	s4 =	simm.s32 $_scs_section_size  }
0x12: {  	s5 =	simm.s32 $_size__tile_overlayer_lowered;
	s6 =	simm.s32 $_tile_overlayer_lowered  }
0x13: {  	s23 =	simm.s32 $0x1BFF;
	s22 =	sshll.u32 s6, $0x1;
	s3 =	sadd.s32 s4, s20  }
0x14: {  	s7 =	simm.s32 $0x0;
	s21 =	sshll.u32 s5, $0x1;
	s5 =	sadd.s32 s22, s3  }
0x15: {  	[timem:s7], [sflag:s23] =	dma.local [hbm:s5], s21  }
0x16: {  	_ =	swait.ge [sflag:s23], s21  }
0x17: {  	s4 =	ssub.s32 $0x0, s21;
	[sflag:s23] =	ssyncset.done $0x0  }
0x18: {  	[sflag:s23] =	ssyncadd.s32 s4;
	_ =	sdelay $0x1  }
0x19: {  	s24 =	simm.s32 $0x1B8B  }
0x1a: {  	_ =	swait.ge [sflag:s24], $0x1  }
0x1b: {  	[sflag:s24] =	ssyncset.done $0x0  }
0x1c: {  	s26 =	simm.s32 $0x1B8E;
	s25 =	sld [smem:$0x3FFE];
	[sflag:s24] =	ssyncadd.s32 $0xFFFFFFFF  }
0x1d: {  	s27 =	simm.s32 $execute0_lowered;
	[smem:$0x3FD2] =	sst s26  }
0x1e: {  	s5 =	sshll.u32 s27, $0x1;
	_ =	strace $0x80000046;
	[dreg:$0x1] =	wrdreg $0xFFFFFFFF  }
0x1f: {  	s28 =	simm.s32 $_size_execute0_lowered;
	s3 =	sadd.s32 s3, s5;
	[dreg:$0x0] =	wrdreg $0x0  }
0x20: {  	s5 =	sshll.u32 s28, $0x1;
	[dreg:$0x2] =	wrdreg s3  }
0x21: {  	[dreg:$0x3] =	wrdreg s5  }
0x22: {  	[dreg:$0x4] =	wrdreg $0xC0  }
0x23: {  	_ =	task [dreg:s7], $0x5FFFF  }
0x24: {  	[dreg:$0x1] =	wrdreg $0xFFFFFFFF  }
0x25: {  	[dreg:$0x0] =	wrdreg $0x60  }
0x26: {  	[dreg:$0x2] =	wrdreg s2  }
0x27: {  	[dreg:$0x3] =	wrdreg s25  }
0x28: {  	[dreg:$0x4] =	wrdreg $0x9  }
0x29: {  	_ =	task.clear_ibuf [dreg:s7], $0x5FFFF;
	_ =	strace $0x90000046  }
0x2a: {  	s29 =	simm.s32 $0x9;
	_ =	strace $0x80000048  }
0x2b: {  	_ =	swait.ge [sflag:s29], $0x1  }
0x2c: {  	[sflag:s29] =	ssyncadd.s32 $0xFFFFFFFF  }
0x2d: {  	_ =	strace $0x90000048  }
0x2e: {  	_ =	sfence  }
0x2f: {  	s30 =	sld [smem:$0x0];
	_ =	sdelay $0x2  }
0x30: {  	s31 =	sshll.u32 s1, $0xD;
	s1 =	sshrl.u32 s1, $0x2  }
0x31: {  	s3 =	sand.u32 $0x4000, s31;
	s1 =	sadd.s32 s1, s30  }
0x32: {  	s0 =	sor.u32 s3, s0;
	s1 =	sshll.u32 s1, $0x11  }
0x33: {  	s0 =	sor.u32 s1, s0  }
0x34: {  	s0 =	sadd.s32 $0x8F2B, s0  }
0x35: {  	[sflag:s0] =	ssyncadd.remote.s32 $0x1  }
0x36: {  	_ =	sfence.sel $0xFFFF  }
0x37: {  	[dreg:$0x0] =	wrdreg $0xFFFFFFFF;
	(pc) =	sbr.abs _section_cstart, $3  }
0x38: {  	[dreg:$0x1] =	wrdreg $0xFFFFFFFF  }
0x39: {  	_ =	task.clear_ibuf [dreg:s7], $0x2FFFF;
	_ =	strace $0x9FFFFFFF  }
0x3a: {  	(tm) =	ssettm $0x7FFFFFFF  }
0x3b: {  	_ =	shalt  }
tec
execute0_lowered:
.L_overlay_start_1:
0x0: {  	(tag) =	ssettag $0x1  }
0x1: {  	s0 =	srdreg.scid;
	s2 =	rddreg [dreg:$0x0]  }
0x2: {  	s6 =	rddreg [dreg:$0x1];
	s1 =	sshll.u32 s0, $0x4  }
0x3: {  	s7 =	simm.s32 $0x1;
	s0 =	stileid.u32;
	s1 =	sand.u32 $0x10, s1  }
0x4: {  	s8 =	simm.s32 $0x2;
	s13 =	simm.s32 $0x0;
	s1 =	sor.u32 s0, s1  }
0x5: {  	s12 =	simm.s32 $0x0;
	s10 =	simm.s32 $0x0;
	s3 =	sshll.u32 s1, $0x8  }
0x6: {  	s11 =	simm.s32 $0x0;
	s6 =	sadd.s32 $0x3400, s6;
	s5 =	ssub.s32 $0x27100, s3  }
.Ltmp0:
0x7: {  	s1 =	rddreg [dreg:$0x2];
	s4 =	sand.u32 $0x1F00, s5;
	(pc) =	sbr.rel .LBB1_1-.Ltmp0, $4  }
0x8: {  	_ =	strace $0x80000047;
	s9 =	smov.u32 s3;
	p0 =	sne.s32 s4, $0x0  }
0x9: {  	s5 =	sshrl.u32 s5, $0xD;
	s4 =	simm.s32 $0x1;
	s7 =	simm.s32 @!p0 $0x0  }
0xa: {  	[sflag:s4] =	ssyncpa.u1 $0x0;
	p0 =	por $0x0, $0x0;
	s5 =	sadd.s32 s7, s5  }
0xb: {  	[sflag:s8] =	ssyncpa.u1 $0x0;
	s8 =	simm.s32 $0x80;
	s7 =	sadd.s32 $0x1, s5  }
.LBB1_4:
0xc: {  	_ =	sdelay $0x3  }
0xd: {  	s21 =	sor.u32 s24, s23;
	v47 =	vld.idx.msk [tilespmem:v0+s16+$0x470 ss:$0x1], $0xffff  }
0xe: {  	v57 =	vld.idx.msk [tilespmem:v0+s21+$0x410 ss:$0x1], $0xffff  }
0xf: {  	v58 =	vld.idx.msk [tilespmem:v0+s21+$0x420 ss:$0x1], $0xffff  }
0x10: {  	[tilespmem:s18+$0x1860 ss:$0x41] =	vst.msk $0xffff, v8;
	v59 =	vld.idx.msk [tilespmem:v0+s21+$0x430 ss:$0x1], $0xffff  }
0x11: {  	[tilespmem:s18+$0x1C70 ss:$0x41] =	vst.msk $0xffff, v7;
	v60 =	vld.idx.msk [tilespmem:v0+s21+$0x440 ss:$0x1], $0xffff  }
0x12: {  	[tilespmem:s18+$0x2490 ss:$0x41] =	vst.msk $0xffff, v1;
	s22 =	sand.u32 $0x3B00, s21;
	v61 =	vld.idx.msk [tilespmem:v0+s21+$0x450 ss:$0x1], $0xffff  }
0x13: {  	s20 =	sand.u32 $0x80, s20;
	[tilespmem:s18+$0x28A0 ss:$0x41] =	vst.msk $0xffff, v2;
	v62 =	vld.idx.msk [tilespmem:v0+s21+$0x460 ss:$0x1], $0xffff;
	s15 =	sadd.s32 s22, s15  }
0x14: {  	[tilespmem:s18+$0x2CB0 ss:$0x41] =	vst.msk $0xffff, v3;
	v63 =	vld.idx.msk [tilespmem:v0+s21+$0x470 ss:$0x1], $0xffff;
	s15 =	sadd.s32 s20, s15  }
0x15: {  	[tilespmem:s18+$0x30C0 ss:$0x41] =	vst.msk $0xffff, v4;
	v48 =	vld [tilespmem:s15+$0x400]  }
0x16: {  	[tilespmem:s18+$0x34D0 ss:$0x41] =	vst.msk $0xffff, v5;
	v49 =	vld [tilespmem:s15+$0x0]  }
0x17: {  	s25 =	sshra.s32 s19, $0x2;
	[tilespmem:s18+$0x38E0 ss:$0x41] =	vst.msk $0xffff, v6;
	v50 =	vld [tilespmem:s15+$0x10]  }
0x18: {  	s16 =	sadd.s32 s25, s17;
	v51 =	vld [tilespmem:s15+$0x20];
	[tilespmem:s18+$0x3CF0 ss:$0x41] =	vst.msk $0xffff, v47  }
0x19: {  	v52 =	vld [tilespmem:s15+$0x30];
	[tilespmem:s16+$0x2490 ss:$0x41] =	vst.msk $0xffff, v57  }
0x1a: {  	v53 =	vld [tilespmem:s15+$0x40];
	[tilespmem:s16+$0x28A0 ss:$0x41] =	vst.msk $0xffff, v58  }
0x1b: {  	v54 =	vld [tilespmem:s15+$0x50];
	[tilespmem:s16+$0x2CB0 ss:$0x41] =	vst.msk $0xffff, v59  }
0x1c: {  	s13 =	sshll.u32 s13, $0x7;
	s26 =	sshll.u32 s12, $0x3;
	v55 =	vld [tilespmem:s15+$0x60];
	[tilespmem:s16+$0x30C0 ss:$0x41] =	vst.msk $0xffff, v60  }
0x1d: {  	s27 =	sand.u32 $0xFFFFFC00, s13;
	v56 =	vld [tilespmem:s15+$0x70];
	s15 =	sand.u32 $0xFFFFFC00, s26;
	[tilespmem:s16+$0x34D0 ss:$0x41] =	vst.msk $0xffff, v61  }
0x1e: {  	s13 =	sand.u32 $0x380, s13;
	s15 =	sadd.s32 s15, s27;
	[tilespmem:s16+$0x38E0 ss:$0x41] =	vst.msk $0xffff, v62  }
0x1f: {  	s13 =	sor.u32 s13, s15;
	[tilespmem:s16+$0x3CF0 ss:$0x41] =	vst.msk $0xffff, v63  }
0x20: {  	s13 =	sshrl.u32 s13, $0x7;
	[tilespmem:s16+$0x2080 ss:$0x41] =	vst.msk $0xffff, v48  }
0x21: {  	s28 =	smulhi.u32 $0x1A36E2F, s13;
	[tilespmem:s16+$0x0 ss:$0x41] =	vst.msk $0xffff, v49  }
0x22: {  	[tilespmem:s16+$0x410 ss:$0x41] =	vst.msk $0xffff, v50  }
0x23: {  	[tilespmem:s16+$0x820 ss:$0x41] =	vst.msk $0xffff, v51;
	s15 =	sshrl.u32 s28, $0xA  }
0x24: {  	[tilespmem:s16+$0xC30 ss:$0x41] =	vst.msk $0xffff, v52;
	s15 =	smul.u32 $0x27100, s15  }
0x25: {  	s29 =	sshrl.u32 s12, $0x3;
	[tilespmem:s16+$0x1040 ss:$0x41] =	vst.msk $0xffff, v53  }
0x26: {  	s31 =	sand.u32 $0x7, s12;
	s30 =	sand.u32 $0xF, s29;
	[tilespmem:s16+$0x1450 ss:$0x41] =	vst.msk $0xffff, v54;
	s13 =	ssub.s32 s13, s15  }
0x27: {  	s12 =	sshll.u32 s31, $0x12;
	[tilespmem:s16+$0x1860 ss:$0x41] =	vst.msk $0xffff, v55;
	s15 =	sadd.s32 s6, s30;
	s13 =	sshll.u32 s13, $0x4  }
0x28: {  	s12 =	sor.u32 $0x40, s12;
	[tilespmem:s16+$0x1C70 ss:$0x41] =	vst.msk $0xffff, v56;
	s13 =	sadd.s32 s13, s15  }
0x29: {  	[hbm4b:s13+s12] =	stream.strided.scatter [tilespmem:s14], [sflag:$0x2], $0x4000, s8, s12, $0x18;
	[tilespmem:$0x10200] =	vst v63  }
.LBB1_5:
0x2a: {  	s14 =	sadd.s32 $0x2000, s9  }
0x2b: {  	s12 =	sadd.s32 $0x40, s10;
	s16 =	smov.u32 s10;
	p2 =	sgt.s32 s14, $0x270FF  }
0x2c: {  	s16 =	smov.u32 @p2 s12  }
0x2d: {  	s14 =	smov.u32 @p2 s3;
	p2 =	sgt.s32 s16, $0x3F  }
0x2e: {  	s16 =	simm.s32 @p2 $0x0;
	p2 =	sne.s32 s11, s7  }
.Ltmp1:
0x2f: {  	p1 =	slt.u32 s11, $0x2;
	(pc) =	sbr.rel @!p2 .LBB1_6-.Ltmp1, $4  }
0x30: {  	s15 =	simm.s32 @!p1 $0x2  }
0x31: {  	s13 =	smov.u32 s9;
	p0 =	por !p0, !p0;
	_ =	swait.ge @!p1 [sflag:s15], $0x4000  }
0x32: {  	s12 =	smov.u32 s10;
	[sflag:s15] =	ssyncset.done @!p1 $0x0;
	s9 =	smov.u32 s14  }
0x33: {  	s11 =	sadd.s32 $0x1, s11;
	[sflag:s15] =	ssyncadd.s32 @!p1 $0xFFFFC000;
	s10 =	smov.u32 s16  }
.LBB1_1:
0x34: {  	p1 =	sge.u32 s11, s5  }
0x35: {  	s14 =	sshrl.u32 @!p1 s10, $0x3  }
0x36: {  	s15 =	sshll.u32 @!p1 s9, $0x3;
	s14 =	smul.u32 @!p1 $0x138800, s14  }
0x37: {  	s16 =	sshll.u32 @!p1 s10, $0x7;
	s15 =	sand.u32 @!p1 $0xFFFFFC00, s15  }
0x38: {  	s14 =	sadd.s32 @!p1 s14, s15;
	s15 =	sand.u32 @!p1 $0x380, s16  }
0x39: {  	s16 =	sand.u32 @!p1 $0x7F, s9;
	s14 =	sor.u32 @!p1 s15, s14  }
0x3a: {  	s15 =	sor.u32 @!p1 s16, s14  }
0x3b: {  	s16 =	smulhi.u32 @!p1 $0xD1B71759, s15;
	_ =	sdelay $0x1  }
0x3c: {  	s14 =	smulhi.u32 @!p1 $0xD1B71759, s14;
	s16 =	sshrl.u32 @!p1 s16, $0x11  }
0x3d: {  	s16 =	smul.u32 @!p1 $0x27100, s16  }
0x3e: {  	s31 =	sadd.s32 $0xFFFFFFFF, s11;
	s17 =	sxor.u32 @!p1 $0xFFFFFFFF, s11;
	s14 =	sshrl.u32 @!p1 s14, $0x11  }
0x3f: {  	s17 =	sshll.u32 @!p1 s17, $0xE;
	s14 =	sand.u32 @!p1 $0x3F, s14;
	s15 =	ssub.s32 @!p1 s15, s16  }
0x40: {  	s14 =	smul.u32 @!p1 $0x4E20, s14;
	s16 =	sshrl.u32 @!p1 s15, $0x3;
	s15 =	sand.u32 @!p1 $0x7, s15  }
0x41: {  	s17 =	sand.u32 @!p1 $0x4000, s17;
	s16 =	sadd.s32 @!p1 s2, s16;
	s15 =	sshll.u32 @!p1 s15, $0x12  }
0x42: {  	s14 =	sadd.s32 @!p1 s14, s16;
	s15 =	sor.u32 @!p1 $0x800, s15;
	s16 =	simm.s32 @!p1 $0x138800  }
0x43: {  	[tilespmem:s17], [sflag:$0x1] =	stream.strided.gather @!p1 [hbm4b:s14+s15], $0x4000, s16, s15, $0x38;
	[tilespmem:$0x10200] =	vst v63  }
0x44: {  	p1 =	sge.u32 s31, s5  }
.Ltmp2:
0x45: {  	_ = 	snop;
	(pc) =	sbr.rel @p1 .LBB1_5-.Ltmp2, $1  }
0x46: {  	_ =	sdelay $0x3  }
0x47: {  	s17 =	simm.s32 $0x0  }
0x48: {  	s16 =	sand.u32 $0x3800, s17;
	s18 =	sand.u32 $0x380, s17  }
0x49: {  	s14 =	sand.u32 $0x1, s11;
	s16 =	sor.u32 s18, s16  }
0x4a: {  	_ =	swait.ge [sflag:s4], $0x4000;
	s15 =	sshll.u32 s14, $0xE;
	s18 =	sand.u32 $0x3B00, s16  }
0x4b: {  	[sflag:s4] =	ssyncset.done $0x0;
	s17 =	sand.u32 $0x80, s17;
	s18 =	sadd.s32 s18, s15  }
0x4c: {  	[sflag:s4] =	ssyncadd.s32 $0xFFFFC000;
	s20 =	sadd.s32 s17, s18  }
0x4d: {  	v4 =	vld [tilespmem:s20+$0x400]  }
0x4e: {  	s19 =	simm.s32 $0x1;
	v5 =	vld [tilespmem:s20+$0x0]  }
0x4f: {  	s19 =	simm.s32 @!p0 $0x0;
	v6 =	vld [tilespmem:s20+$0x10]  }
0x50: {  	v0 =	vmov s15;
	s31 =	smul.u32 $0x10400, s19;
	v7 =	vld [tilespmem:s20+$0x20]  }
0x51: {  	v9 =	vld [tilespmem:s20+$0x30]  }
0x52: {  	s17 =	sshrl.u32 s31, $0x2;
	v10 =	vld [tilespmem:s20+$0x40]  }
0x53: {  	s17 =	sor.u32 $0x8000, s17;
	v11 =	vld [tilespmem:s20+$0x50]  }
0x54: {  	v8 =	vld [tilespmem:s20+$0x60];
	s18 =	sadd.s32 $0x0, s17  }
0x55: {  	v1 =	vld.idx.msk [tilespmem:v0+s16+$0x410 ss:$0x1], $0xffff;
	[tilespmem:s18+$0x2080 ss:$0x41] =	vst.msk $0xffff, v4  }
0x56: {  	v2 =	vld.idx.msk [tilespmem:v0+s16+$0x420 ss:$0x1], $0xffff;
	[tilespmem:s18+$0x0 ss:$0x41] =	vst.msk $0xffff, v5  }
0x57: {  	v3 =	vld.idx.msk [tilespmem:v0+s16+$0x430 ss:$0x1], $0xffff;
	[tilespmem:s18+$0x410 ss:$0x41] =	vst.msk $0xffff, v6  }
0x58: {  	s14 =	smul.u32 $0x10400, s14;
	[tilespmem:s18+$0x820 ss:$0x41] =	vst.msk $0xffff, v7;
	v7 =	vld [tilespmem:s20+$0x70]  }
0x59: {  	s21 =	simm.s32 $0x100;
	s22 =	simm.s32 $0x8;
	[tilespmem:s18+$0xC30 ss:$0x41] =	vst.msk $0xffff, v9;
	v4 =	vld.idx.msk [tilespmem:v0+s16+$0x440 ss:$0x1], $0xffff  }
0x5a: {  	s23 =	sand.u32 $0x3800, s21;
	s14 =	sshrl.u32 s14, $0x2;
	[tilespmem:s18+$0x1040 ss:$0x41] =	vst.msk $0xffff, v10;
	v5 =	vld.idx.msk [tilespmem:v0+s16+$0x450 ss:$0x1], $0xffff;
	s20 =	simm.s32 $0x80  }
0x5b: {  	s19 =	simm.s32 $0x4;
	s14 =	sor.u32 $0x8000, s14;
	[tilespmem:s18+$0x1450 ss:$0x41] =	vst.msk $0xffff, v11;
	v6 =	vld.idx.msk [tilespmem:v0+s16+$0x460 ss:$0x1], $0xffff;
	s24 =	sand.u32 $0x380, s20  }
.LBB1_3:
0x5c: {  	p1 =	sne.s32 s22, $0xFC;
	[tilespmem:s18+$0x1860 ss:$0x41] =	vst.msk $0xffff, v8;
	v8 =	vld.idx.msk [tilespmem:v0+s16+$0x470 ss:$0x1], $0xffff;
	s16 =	sor.u32 s24, s23  }
0x5d: {  	s23 =	sand.u32 $0x3B00, s16;
	v9 =	vld.idx.msk [tilespmem:v0+s16+$0x410 ss:$0x1], $0xffff;
	[tilespmem:s18+$0x1C70 ss:$0x41] =	vst.msk $0xffff, v7  }
0x5e: {  	s24 =	sand.u32 $0x80, s20;
	s23 =	sadd.s32 s23, s15;
	v7 =	vld.idx.msk [tilespmem:v0+s16+$0x420 ss:$0x1], $0xffff;
	[tilespmem:s18+$0x2490 ss:$0x41] =	vst.msk $0xffff, v1  }
0x5f: {  	s23 =	sadd.s32 s24, s23;
	v10 =	vld.idx.msk [tilespmem:v0+s16+$0x430 ss:$0x1], $0xffff;
	[tilespmem:s18+$0x28A0 ss:$0x41] =	vst.msk $0xffff, v2  }
0x60: {  	v11 =	vld [tilespmem:s23+$0x400];
	[tilespmem:s18+$0x2CB0 ss:$0x41] =	vst.msk $0xffff, v3  }
0x61: {  	v12 =	vld [tilespmem:s23+$0x0];
	[tilespmem:s18+$0x30C0 ss:$0x41] =	vst.msk $0xffff, v4  }
0x62: {  	v4 =	vld [tilespmem:s23+$0x10];
	[tilespmem:s18+$0x34D0 ss:$0x41] =	vst.msk $0xffff, v5  }
0x63: {  	s24 =	sshra.s32 s19, $0x2;
	s19 =	smov.u32 s22;
	v1 =	vmov v9;
	v5 =	vld [tilespmem:s23+$0x20];
	[tilespmem:s18+$0x38E0 ss:$0x41] =	vst.msk $0xffff, v6  }
0x64: {  	v2 =	vmov v7;
	v6 =	vld [tilespmem:s23+$0x30];
	[tilespmem:s18+$0x3CF0 ss:$0x41] =	vst.msk $0xffff, v8;
	s18 =	sadd.s32 s24, s17  }
0x65: {  	v3 =	vmov v10;
	v9 =	vld [tilespmem:s23+$0x40];
	[tilespmem:s18+$0x2080 ss:$0x41] =	vst.msk $0xffff, v11  }
0x66: {  	[tilespmem:s18+$0x0 ss:$0x41] =	vst.msk $0xffff, v12;
	v10 =	vld [tilespmem:s23+$0x50]  }
.Ltmp3:
0x67: {  	[tilespmem:s18+$0x410 ss:$0x41] =	vst.msk $0xffff, v4;
	v8 =	vld [tilespmem:s23+$0x60];
	(pc) =	sbr.rel @p1 .LBB1_3-.Ltmp3, $4  }
0x68: {  	[tilespmem:s18+$0x820 ss:$0x41] =	vst.msk $0xffff, v5;
	v7 =	vld [tilespmem:s23+$0x70]  }
0x69: {  	[tilespmem:s18+$0xC30 ss:$0x41] =	vst.msk $0xffff, v6;
	v4 =	vld.idx.msk [tilespmem:v0+s16+$0x440 ss:$0x1], $0xffff  }
0x6a: {  	s20 =	sadd.s32 $0x80, s20;
	s21 =	sadd.s32 $0x100, s21;
	[tilespmem:s18+$0x1040 ss:$0x41] =	vst.msk $0xffff, v9;
	v5 =	vld.idx.msk [tilespmem:v0+s16+$0x450 ss:$0x1], $0xffff  }
0x6b: {  	s22 =	sadd.s32 $0x4, s22;
	s24 =	sand.u32 $0x380, s20;
	s23 =	sand.u32 $0x3800, s21;
	[tilespmem:s18+$0x1450 ss:$0x41] =	vst.msk $0xffff, v10;
	v6 =	vld.idx.msk [tilespmem:v0+s16+$0x460 ss:$0x1], $0xffff  }
.Ltmp4:
0x6c: {  	_ = 	snop;
	(pc) =	sbr.rel .LBB1_4-.Ltmp4, $1  }
0x6d: {  	_ =	sdelay $0x3  }
.LBB1_6:
0x6e: {  	_ =	sfence.sel $0x180000  }
0x6f: {  	s2 =	simm.s32 $0x1;
	[bflag:$0x0] =	sbarrier.arrive $0xFFFF  }
0x70: {  	s31 =	simm.s32 $0x2;
	[sflag:s2] =	ssyncpa.u1 $0x1  }
0x71: {  	[sflag:s31] =	ssyncpa.u1 $0x1  }
0x72: {  	p0 =	sne.s32 s0, $0x0;
	_ =	strace $0x90000047  }
0x73: {  	s0 =	sadd.s32 @!p0 $0x100000, s1;
	[bflag:$0x2] =	sbarrier.arrive $0xFFFF  }
0x74: {  	[sflag:s0] =	ssyncadd.tile.s32 @!p0 $0x1;
	_ =	shalt  }
.Lfunc_end1:
_tile_overlayer_lowered:
.L_overlay_start_2:
0x75: {  	(tag) =	ssettag $0x2  }
0x76: {  	s0 =	rddreg [dreg:$0x0];
	s2 =	stileid.u32  }
0x77: {  	s1 =	rddreg [dreg:$0x1];
	p0 =	sne.s32 s2, $0x0  }
0x78: {  	s3 =	rddreg [dreg:$0x2];
	[bflag:$0x3] =	sbarrier.arrive $0xFFFF;
	s2 =	simm.s32 @!p0 $0x1C01  }
0x79: {  	[timem:s3], [sflag:s2] =	dma.local @!p0 [hbm:s0], s1  }
0x7a: {  	s0 =	simm.s32 @!p0 $0x1  }
0x7b: {  	_ =	swait.ge @!p0 [sflag:s0], s1  }
0x7c: {  	s1 =	ssub.s32 @!p0 $0x0, s1;
	[sflag:s0] =	ssyncset.done @!p0 $0x0  }
0x7d: {  	[sflag:s0] =	ssyncadd.s32 @!p0 s1  }
0x7e: {  	[bflag:$0x3] =	sbarrier.arrive $0xFFFF  }
0x7f: {  	_ =	shalt  }

</sc_bundles>
